<compile_context>
chip_gen: v7x
topology: tpu7x:2x2x1
jax: 0.10.2.dev20260603
libtpu: 0.0.44.dev20260713+nightly
codegen_flags: <defaults>
</compile_context>

<pallas_src>
import functools

import jax
import jax.numpy as jnp
from jax import lax
from jax.experimental import pallas as pl
from jax.experimental.pallas import tpu as pltpu
from jax.experimental.pallas import tpu_sc as plsc

B = 16384
D = 128
NC = 2
NS = 16
NW = NC * NS
BPW = B // NW
CH = 128
NCHUNK = BPW // CH
IDX_ROWS = B // CH


ROWS_PER_IT = 1
NSLOT = 2
GRP = 128
NGRP = CH // GRP


def _sc_body(idx1_hbm, idx2_hbm, table_hbm, out_hbm,
             idx1_v, idx2_v, rows1_v, rows2_v,
             gsem0, gsem1, wsem0, wsem1):
    wid = lax.axis_index("s") * NC + lax.axis_index("c")
    irow = wid * NCHUNK
    pltpu.sync_copy(idx1_hbm.at[pl.ds(irow, NCHUNK)], idx1_v)
    pltpu.sync_copy(idx2_hbm.at[pl.ds(irow, NCHUNK)], idx2_v)

    gsems = (gsem0, gsem1)
    wsems = (wsem0, wsem1)

    def issue_gathers(j):
        slot = j % NSLOT
        c1 = pltpu.async_copy(table_hbm.at[idx1_v.at[j]],
                              rows1_v.at[slot], gsems[slot])
        c2 = pltpu.async_copy(table_hbm.at[idx2_v.at[j]],
                              rows2_v.at[slot], gsems[slot])
        return (c1, c2)

    def accumulate_group(slot, g):
        def add_rows(i, c):
            for r in range(ROWS_PER_IT):
                row = g * GRP + i * ROWS_PER_IT + r
                for k in range(D // 16):
                    s = pl.ds(k * 16, 16)
                    plsc.addupdate(rows1_v.at[slot, row, s],
                                   rows2_v[slot, row, s])
            return c
        lax.fori_loop(0, GRP // ROWS_PER_IT, add_rows, 0, unroll=False)

    def process(j):
        slot = j % NSLOT
        ws = []
        for g in range(NGRP):
            accumulate_group(slot, g)
            ws.append(pltpu.async_copy(
                rows1_v.at[slot, pl.ds(g * GRP, GRP)],
                out_hbm.at[pl.ds((irow + j) * CH + g * GRP, GRP)],
                wsems[slot]))
        return ws

    gathers = [None] * NCHUNK
    writes = [None] * NCHUNK
    gathers[0] = issue_gathers(0)
    for j in range(NCHUNK):
        if j + 1 < NCHUNK:
            if j + 1 >= NSLOT:
                for w in writes[j + 1 - NSLOT]:
                    w.wait()
            gathers[j + 1] = issue_gathers(j + 1)
        c1, c2 = gathers[j]
        c1.wait()
        c2.wait()
        writes[j] = process(j)
    for j in range(max(0, NCHUNK - NSLOT), NCHUNK):
        for w in writes[j]:
            w.wait()


@jax.jit
def _lookup(idx1_2d, idx2_2d, table):
    mesh = plsc.VectorSubcoreMesh(core_axis_name="c", subcore_axis_name="s")
    f = functools.partial(
        pl.kernel, mesh=mesh,
        out_type=jax.ShapeDtypeStruct((B, D), jnp.float32),
        scratch_types=[
            pltpu.VMEM((NCHUNK, CH), jnp.int32),
            pltpu.VMEM((NCHUNK, CH), jnp.int32),
            pltpu.VMEM((NSLOT, CH, D), jnp.float32),
            pltpu.VMEM((NSLOT, CH, D), jnp.float32),
            pltpu.SemaphoreType.DMA,
            pltpu.SemaphoreType.DMA,
            pltpu.SemaphoreType.DMA,
            pltpu.SemaphoreType.DMA,
        ],
    )(_sc_body)
    return f(idx1_2d, idx2_2d, table)


def kernel(idx1, idx2, table):
    idx1_2d = idx1.reshape(IDX_ROWS, CH)
    idx2_2d = idx2.reshape(IDX_ROWS, CH)
    return _lookup(idx1_2d, idx2_2d, table)

# --- scband reference (transcript-rebuilt; emitter-appended) ---
"""Pipeline reference for scband-single-embedding-double-hashing-73031623901517 (READ-ONLY COPY).

The authoritative reference and input builder live on the scoring server;
editing this copy changes nothing except your own understanding.
"""

import jax, jax.numpy as jnp
import numpy as np

B_TABLE = 1000000
EMBED_DIM = 128
BATCH = 16384

def setup_inputs(seed: int = 0) -> dict:
    key = jax.random.key(seed)
    k1, k2, k3 = jax.random.split(key, 3)
    idx1 = jax.random.randint(k1, (BATCH,), 0, B_TABLE, dtype=jnp.int64 if jax.config.jax_enable_x64 else jnp.int32).astype(jnp.int32)
    idx2 = jax.random.randint(k2, (BATCH,), 0, B_TABLE, dtype=jnp.int32)
    # Xavier uniform init for embedding table [B, embedding_dim]
    limit = float(np.sqrt(6.0 / (B_TABLE + EMBED_DIM)))
    table = jax.random.uniform(k3, (B_TABLE, EMBED_DIM), dtype=jnp.float32, minval=-limit, maxval=limit)
    return {"idx1": idx1, "idx2": idx2, "table": table}

def reference(idx1, idx2, table):
    # Double-hashing embedding: the original module hashes each string feature f
    # with MD5 (h1) and SHA1 (h2) mod B; here idx1/idx2 are the precomputed hash
    # indices. aggregation='sum': E[h1(f)] + E[h2(f)] for each feature, stacked.
    e1 = jnp.take(table, idx1, axis=0)
    e2 = jnp.take(table, idx2, axis=0)
    return e1 + e2

if __name__ == "__main__":
    import jax
    _d = setup_inputs()
    print(jax.jit(kernel)(*tuple(_d.values())))

</pallas_src>

<mosaic_0001>
#map = affine_map<(d0, d1) -> (0, 0)>
module attributes {stable_mosaic.version = 14 : i64} {
  func.func @_sc_body(%arg0: i32, %arg1: i32, %arg2: memref<128x128xi32, #tpu.memory_space<hbm>>, %arg3: memref<128x128xi32, #tpu.memory_space<hbm>>, %arg4: memref<1000000x128xf32, #tpu.memory_space<hbm>>, %arg5: memref<16384x128xf32, #tpu.memory_space<hbm>>, %arg6: memref<4x128xi32, #tpu.memory_space<vmem>>, %arg7: memref<4x128xi32, #tpu.memory_space<vmem>>, %arg8: memref<2x128x128xf32, #tpu.memory_space<vmem>>, %arg9: memref<2x128x128xf32, #tpu.memory_space<vmem>>, %arg10: memref<!tpu.dma_semaphore, #tpu.memory_space<semaphore_mem>>, %arg11: memref<!tpu.dma_semaphore, #tpu.memory_space<semaphore_mem>>, %arg12: memref<!tpu.dma_semaphore, #tpu.memory_space<semaphore_mem>>, %arg13: memref<!tpu.dma_semaphore, #tpu.memory_space<semaphore_mem>>) attributes {dimension_semantics = [#tpu.dimension_semantics<core_parallel>, #tpu.dimension_semantics<subcore_parallel>], iteration_bounds = array<i64: 2, 16>, scalar_prefetch = 0 : i64, scratch_operands = 8 : i64, tpu.core_type = #tpu.core_type<sc_vector_subcore>, window_params = [{transform_indices = #map}, {transform_indices = #map}, {transform_indices = #map}, {transform_indices = #map}]} {
    %mul3A = arith.constant 2 : i32
    %mul3A_0 = arith.muli %arg1, %mul3A : i32
    %add3A = arith.addi %mul3A_0, %arg0 : i32
    %mul3A_1 = arith.constant 4 : i32
    %mul3A_2 = arith.muli %add3A, %mul3A_1 : i32
    "tpu.region"() ({
      %run_scoped3A = tpu.sem_alloc : memref<!tpu.dma_semaphore, #tpu.memory_space<semaphore_mem>>
      %dma_start3A_344 = arith.constant 0 : i32
      %dma_start3A_345 = tpu.memref_slice %arg2[%mul3A_2, %dma_start3A_344] : memref<128x128xi32, #tpu.memory_space<hbm>> -> memref<4x128xi32, #tpu.memory_space<hbm>>
      %dma_start3A_346 = arith.constant 0 : i32
      %dma_start3A_347 = tpu.memref_slice %arg2[%mul3A_2, %dma_start3A_346] : memref<128x128xi32, #tpu.memory_space<hbm>> -> memref<4x128xi32, #tpu.memory_space<hbm>>
      tpu.enqueue_dma source(%dma_start3A_347 : memref<4x128xi32, #tpu.memory_space<hbm>>) target(%arg6 : memref<4x128xi32, #tpu.memory_space<vmem>>) target_semaphore(%run_scoped3A : memref<!tpu.dma_semaphore, #tpu.memory_space<semaphore_mem>>)
      %dma_wait3A_348 = arith.constant 0 : i32
      %dma_wait3A_349 = tpu.memref_slice %arg2[%mul3A_2, %dma_wait3A_348] : memref<128x128xi32, #tpu.memory_space<hbm>> -> memref<4x128xi32, #tpu.memory_space<hbm>>
      %dma_wait3A_350 = arith.constant 0 : i32
      %dma_wait3A_351 = tpu.memref_slice %arg2[%mul3A_2, %dma_wait3A_350] : memref<128x128xi32, #tpu.memory_space<hbm>> -> memref<4x128xi32, #tpu.memory_space<hbm>>
      tpu.wait_dma2 semaphore(%run_scoped3A : memref<!tpu.dma_semaphore, #tpu.memory_space<semaphore_mem>>) src(%dma_wait3A_351 : memref<4x128xi32, #tpu.memory_space<hbm>>) dst(%arg6 : memref<4x128xi32, #tpu.memory_space<vmem>>)
      tpu.yield
    }) : () -> ()
    "tpu.region"() ({
      %run_scoped3A = tpu.sem_alloc : memref<!tpu.dma_semaphore, #tpu.memory_space<semaphore_mem>>
      %dma_start3A_344 = arith.constant 0 : i32
      %dma_start3A_345 = tpu.memref_slice %arg3[%mul3A_2, %dma_start3A_344] : memref<128x128xi32, #tpu.memory_space<hbm>> -> memref<4x128xi32, #tpu.memory_space<hbm>>
      %dma_start3A_346 = arith.constant 0 : i32
      %dma_start3A_347 = tpu.memref_slice %arg3[%mul3A_2, %dma_start3A_346] : memref<128x128xi32, #tpu.memory_space<hbm>> -> memref<4x128xi32, #tpu.memory_space<hbm>>
      tpu.enqueue_dma source(%dma_start3A_347 : memref<4x128xi32, #tpu.memory_space<hbm>>) target(%arg7 : memref<4x128xi32, #tpu.memory_space<vmem>>) target_semaphore(%run_scoped3A : memref<!tpu.dma_semaphore, #tpu.memory_space<semaphore_mem>>)
      %dma_wait3A_348 = arith.constant 0 : i32
      %dma_wait3A_349 = tpu.memref_slice %arg3[%mul3A_2, %dma_wait3A_348] : memref<128x128xi32, #tpu.memory_space<hbm>> -> memref<4x128xi32, #tpu.memory_space<hbm>>
      %dma_wait3A_350 = arith.constant 0 : i32
      %dma_wait3A_351 = tpu.memref_slice %arg3[%mul3A_2, %dma_wait3A_350] : memref<128x128xi32, #tpu.memory_space<hbm>> -> memref<4x128xi32, #tpu.memory_space<hbm>>
      tpu.wait_dma2 semaphore(%run_scoped3A : memref<!tpu.dma_semaphore, #tpu.memory_space<semaphore_mem>>) src(%dma_wait3A_351 : memref<4x128xi32, #tpu.memory_space<hbm>>) dst(%arg7 : memref<4x128xi32, #tpu.memory_space<vmem>>)
      tpu.yield
    }) : () -> ()
    %dma_start3A = arith.constant 0 : i32
    %dma_start3A_3 = arith.constant 0 : i32
    %dma_start3A_4 = arith.constant 0 : i32
    %dma_start3A_5 = arith.constant 0 : i32
    %dma_start3A_6 = tpu.memref_slice %arg8[%dma_start3A_3, %dma_start3A_4, %dma_start3A_5] : memref<2x128x128xf32, #tpu.memory_space<vmem>> -> memref<1x128x128xf32, #tpu.memory_space<vmem>>
    %dma_start3A_7 = tpu.memref_squeeze %dma_start3A_6 : memref<1x128x128xf32, #tpu.memory_space<vmem>> -> memref<128x128xf32, #tpu.memory_space<vmem>>
    %dma_start3A_8 = arith.constant 0 : i32
    %dma_start3A_9 = tpu.memref_slice %arg6[%dma_start3A, %dma_start3A_8] : memref<4x128xi32, #tpu.memory_space<vmem>> -> memref<1x128xi32, #tpu.memory_space<vmem>>
    %dma_start3A_10 = tpu.memref_squeeze %dma_start3A_9 : memref<1x128xi32, #tpu.memory_space<vmem>> -> memref<128xi32, #tpu.memory_space<vmem>>
    %dma_start3A_11 = arith.constant 0 : i32
    %dma_start3A_12 = arith.constant 0 : i32
    %dma_start3A_13 = tpu.memref_slice %arg4[%dma_start3A_11, %dma_start3A_12] : memref<1000000x128xf32, #tpu.memory_space<hbm>> -> memref<1000000x128xf32, #tpu.memory_space<hbm>>
    tpu.enqueue_indirect_dma source(%dma_start3A_13 : memref<1000000x128xf32, #tpu.memory_space<hbm>>) target(%dma_start3A_7 : memref<128x128xf32, #tpu.memory_space<vmem>>) offsets(%dma_start3A_10 : memref<128xi32, #tpu.memory_space<vmem>>) semaphore(%arg10 : memref<!tpu.dma_semaphore, #tpu.memory_space<semaphore_mem>>)
    %dma_start3A_14 = arith.constant 0 : i32
    %dma_start3A_15 = arith.constant 0 : i32
    %dma_start3A_16 = arith.constant 0 : i32
    %dma_start3A_17 = arith.constant 0 : i32
    %dma_start3A_18 = tpu.memref_slice %arg9[%dma_start3A_15, %dma_start3A_16, %dma_start3A_17] : memref<2x128x128xf32, #tpu.memory_space<vmem>> -> memref<1x128x128xf32, #tpu.memory_space<vmem>>
    %dma_start3A_19 = tpu.memref_squeeze %dma_start3A_18 : memref<1x128x128xf32, #tpu.memory_space<vmem>> -> memref<128x128xf32, #tpu.memory_space<vmem>>
    %dma_start3A_20 = arith.constant 0 : i32
    %dma_start3A_21 = tpu.memref_slice %arg7[%dma_start3A_14, %dma_start3A_20] : memref<4x128xi32, #tpu.memory_space<vmem>> -> memref<1x128xi32, #tpu.memory_space<vmem>>
    %dma_start3A_22 = tpu.memref_squeeze %dma_start3A_21 : memref<1x128xi32, #tpu.memory_space<vmem>> -> memref<128xi32, #tpu.memory_space<vmem>>
    %dma_start3A_23 = arith.constant 0 : i32
    %dma_start3A_24 = arith.constant 0 : i32
    %dma_start3A_25 = tpu.memref_slice %arg4[%dma_start3A_23, %dma_start3A_24] : memref<1000000x128xf32, #tpu.memory_space<hbm>> -> memref<1000000x128xf32, #tpu.memory_space<hbm>>
    tpu.enqueue_indirect_dma source(%dma_start3A_25 : memref<1000000x128xf32, #tpu.memory_space<hbm>>) target(%dma_start3A_19 : memref<128x128xf32, #tpu.memory_space<vmem>>) offsets(%dma_start3A_22 : memref<128xi32, #tpu.memory_space<vmem>>) semaphore(%arg10 : memref<!tpu.dma_semaphore, #tpu.memory_space<semaphore_mem>>)
    %dma_start3A_26 = arith.constant 1 : i32
    %dma_start3A_27 = arith.constant 1 : i32
    %dma_start3A_28 = arith.constant 0 : i32
    %dma_start3A_29 = arith.constant 0 : i32
    %dma_start3A_30 = tpu.memref_slice %arg8[%dma_start3A_27, %dma_start3A_28, %dma_start3A_29] : memref<2x128x128xf32, #tpu.memory_space<vmem>> -> memref<1x128x128xf32, #tpu.memory_space<vmem>>
    %dma_start3A_31 = tpu.memref_squeeze %dma_start3A_30 : memref<1x128x128xf32, #tpu.memory_space<vmem>> -> memref<128x128xf32, #tpu.memory_space<vmem>>
    %dma_start3A_32 = arith.constant 0 : i32
    %dma_start3A_33 = tpu.memref_slice %arg6[%dma_start3A_26, %dma_start3A_32] : memref<4x128xi32, #tpu.memory_space<vmem>> -> memref<1x128xi32, #tpu.memory_space<vmem>>
    %dma_start3A_34 = tpu.memref_squeeze %dma_start3A_33 : memref<1x128xi32, #tpu.memory_space<vmem>> -> memref<128xi32, #tpu.memory_space<vmem>>
    %dma_start3A_35 = arith.constant 0 : i32
    %dma_start3A_36 = arith.constant 0 : i32
    %dma_start3A_37 = tpu.memref_slice %arg4[%dma_start3A_35, %dma_start3A_36] : memref<1000000x128xf32, #tpu.memory_space<hbm>> -> memref<1000000x128xf32, #tpu.memory_space<hbm>>
    tpu.enqueue_indirect_dma source(%dma_start3A_37 : memref<1000000x128xf32, #tpu.memory_space<hbm>>) target(%dma_start3A_31 : memref<128x128xf32, #tpu.memory_space<vmem>>) offsets(%dma_start3A_34 : memref<128xi32, #tpu.memory_space<vmem>>) semaphore(%arg11 : memref<!tpu.dma_semaphore, #tpu.memory_space<semaphore_mem>>)
    %dma_start3A_38 = arith.constant 1 : i32
    %dma_start3A_39 = arith.constant 1 : i32
    %dma_start3A_40 = arith.constant 0 : i32
    %dma_start3A_41 = arith.constant 0 : i32
    %dma_start3A_42 = tpu.memref_slice %arg9[%dma_start3A_39, %dma_start3A_40, %dma_start3A_41] : memref<2x128x128xf32, #tpu.memory_space<vmem>> -> memref<1x128x128xf32, #tpu.memory_space<vmem>>
    %dma_start3A_43 = tpu.memref_squeeze %dma_start3A_42 : memref<1x128x128xf32, #tpu.memory_space<vmem>> -> memref<128x128xf32, #tpu.memory_space<vmem>>
    %dma_start3A_44 = arith.constant 0 : i32
    %dma_start3A_45 = tpu.memref_slice %arg7[%dma_start3A_38, %dma_start3A_44] : memref<4x128xi32, #tpu.memory_space<vmem>> -> memref<1x128xi32, #tpu.memory_space<vmem>>
    %dma_start3A_46 = tpu.memref_squeeze %dma_start3A_45 : memref<1x128xi32, #tpu.memory_space<vmem>> -> memref<128xi32, #tpu.memory_space<vmem>>
    %dma_start3A_47 = arith.constant 0 : i32
    %dma_start3A_48 = arith.constant 0 : i32
    %dma_start3A_49 = tpu.memref_slice %arg4[%dma_start3A_47, %dma_start3A_48] : memref<1000000x128xf32, #tpu.memory_space<hbm>> -> memref<1000000x128xf32, #tpu.memory_space<hbm>>
    tpu.enqueue_indirect_dma source(%dma_start3A_49 : memref<1000000x128xf32, #tpu.memory_space<hbm>>) target(%dma_start3A_43 : memref<128x128xf32, #tpu.memory_space<vmem>>) offsets(%dma_start3A_46 : memref<128xi32, #tpu.memory_space<vmem>>) semaphore(%arg11 : memref<!tpu.dma_semaphore, #tpu.memory_space<semaphore_mem>>)
    %dma_wait3A = arith.constant 0 : i32
    %dma_wait3A_50 = arith.constant 0 : i32
    %dma_wait3A_51 = arith.constant 0 : i32
    %dma_wait3A_52 = arith.constant 0 : i32
    %dma_wait3A_53 = tpu.memref_slice %arg8[%dma_wait3A_50, %dma_wait3A_51, %dma_wait3A_52] : memref<2x128x128xf32, #tpu.memory_space<vmem>> -> memref<1x128x128xf32, #tpu.memory_space<vmem>>
    %dma_wait3A_54 = tpu.memref_squeeze %dma_wait3A_53 : memref<1x128x128xf32, #tpu.memory_space<vmem>> -> memref<128x128xf32, #tpu.memory_space<vmem>>
    %dma_wait3A_55 = arith.constant 0 : i32
    %dma_wait3A_56 = tpu.memref_slice %arg6[%dma_wait3A, %dma_wait3A_55] : memref<4x128xi32, #tpu.memory_space<vmem>> -> memref<1x128xi32, #tpu.memory_space<vmem>>
    %dma_wait3A_57 = tpu.memref_squeeze %dma_wait3A_56 : memref<1x128xi32, #tpu.memory_space<vmem>> -> memref<128xi32, #tpu.memory_space<vmem>>
    %dma_wait3A_58 = arith.constant 0 : i32
    %dma_wait3A_59 = arith.constant 0 : i32
    %dma_wait3A_60 = tpu.memref_slice %arg4[%dma_wait3A_58, %dma_wait3A_59] : memref<1000000x128xf32, #tpu.memory_space<hbm>> -> memref<1000000x128xf32, #tpu.memory_space<hbm>>
    tpu.wait_indirect_dma semaphore(%arg10 : memref<!tpu.dma_semaphore, #tpu.memory_space<semaphore_mem>>) src(%dma_wait3A_60 : memref<1000000x128xf32, #tpu.memory_space<hbm>>) dst(%dma_wait3A_54 : memref<128x128xf32, #tpu.memory_space<vmem>>)
    %dma_wait3A_61 = arith.constant 0 : i32
    %dma_wait3A_62 = arith.constant 0 : i32
    %dma_wait3A_63 = arith.constant 0 : i32
    %dma_wait3A_64 = arith.constant 0 : i32
    %dma_wait3A_65 = tpu.memref_slice %arg9[%dma_wait3A_62, %dma_wait3A_63, %dma_wait3A_64] : memref<2x128x128xf32, #tpu.memory_space<vmem>> -> memref<1x128x128xf32, #tpu.memory_space<vmem>>
    %dma_wait3A_66 = tpu.memref_squeeze %dma_wait3A_65 : memref<1x128x128xf32, #tpu.memory_space<vmem>> -> memref<128x128xf32, #tpu.memory_space<vmem>>
    %dma_wait3A_67 = arith.constant 0 : i32
    %dma_wait3A_68 = tpu.memref_slice %arg7[%dma_wait3A_61, %dma_wait3A_67] : memref<4x128xi32, #tpu.memory_space<vmem>> -> memref<1x128xi32, #tpu.memory_space<vmem>>
    %dma_wait3A_69 = tpu.memref_squeeze %dma_wait3A_68 : memref<1x128xi32, #tpu.memory_space<vmem>> -> memref<128xi32, #tpu.memory_space<vmem>>
    %dma_wait3A_70 = arith.constant 0 : i32
    %dma_wait3A_71 = arith.constant 0 : i32
    %dma_wait3A_72 = tpu.memref_slice %arg4[%dma_wait3A_70, %dma_wait3A_71] : memref<1000000x128xf32, #tpu.memory_space<hbm>> -> memref<1000000x128xf32, #tpu.memory_space<hbm>>
    tpu.wait_indirect_dma semaphore(%arg10 : memref<!tpu.dma_semaphore, #tpu.memory_space<semaphore_mem>>) src(%dma_wait3A_72 : memref<1000000x128xf32, #tpu.memory_space<hbm>>) dst(%dma_wait3A_66 : memref<128x128xf32, #tpu.memory_space<vmem>>)
    %scan3A = arith.constant 0 : i32
    %scan3A_73 = arith.constant 0 : i32
    %scan3A_74 = arith.constant 128 : i32
    %scan3A_75 = arith.addi %scan3A_73, %scan3A_74 : i32
    %scan3A_76 = arith.constant 1 : i32
    scf.for %scan3A_344 = %scan3A_73 to %scan3A_75 step %scan3A_76  : i32 {
      %mul3A_345 = arith.constant 1 : i32
      %mul3A_346 = arith.muli %scan3A_344, %mul3A_345 : i32
      %add3A_347 = arith.constant 0 : i32
      %add3A_348 = arith.addi %add3A_347, %mul3A_346 : i32
      %add3A_349 = arith.constant 0 : i32
      %add3A_350 = arith.addi %add3A_348, %add3A_349 : i32
      %get3A = arith.constant 0 : i32
      %get3A_351 = arith.index_cast %get3A : i32 to index
      %get3A_352 = arith.index_cast %add3A_350 : i32 to index
      %get3A_353 = arith.constant 0 : index
      %get3A_354 = tpu.vector_load %arg9[%get3A_351, %get3A_352, %get3A_353] {strides = array<i32>} : memref<2x128x128xf32, #tpu.memory_space<vmem>>, vector<1x1x16xf32>,
      %get3A_355 = vector.shape_cast %get3A_354 : vector<1x1x16xf32> to vector<16xf32>
      %swap3A = arith.constant 0 : i32
      %swap3A_356 = arith.index_cast %swap3A : i32 to index
      %swap3A_357 = arith.index_cast %add3A_350 : i32 to index
      %swap3A_358 = arith.constant 0 : index
      %swap3A_359 = tpu.vector_load %arg8[%swap3A_356, %swap3A_357, %swap3A_358] {strides = array<i32>} : memref<2x128x128xf32, #tpu.memory_space<vmem>>, vector<1x1x16xf32>,
      %swap3A_360 = vector.shape_cast %swap3A_359 : vector<1x1x16xf32> to vector<16xf32>
      %swap3A_361 = vector.shape_cast %get3A_355 : vector<16xf32> to vector<1x1x16xf32>
      tpu.vector_store %arg8[%swap3A_356, %swap3A_357, %swap3A_358], %swap3A_361 {add = true, strides = array<i32>} : memref<2x128x128xf32, #tpu.memory_space<vmem>>, vector<1x1x16xf32>,
      %get3A_362 = arith.constant 0 : i32
      %get3A_363 = arith.index_cast %get3A_362 : i32 to index
      %get3A_364 = arith.index_cast %add3A_350 : i32 to index
      %get3A_365 = arith.constant 16 : index
      %get3A_366 = tpu.vector_load %arg9[%get3A_363, %get3A_364, %get3A_365] {strides = array<i32>} : memref<2x128x128xf32, #tpu.memory_space<vmem>>, vector<1x1x16xf32>,
      %get3A_367 = vector.shape_cast %get3A_366 : vector<1x1x16xf32> to vector<16xf32>
      %swap3A_368 = arith.constant 0 : i32
      %swap3A_369 = arith.index_cast %swap3A_368 : i32 to index
      %swap3A_370 = arith.index_cast %add3A_350 : i32 to index
      %swap3A_371 = arith.constant 16 : index
      %swap3A_372 = tpu.vector_load %arg8[%swap3A_369, %swap3A_370, %swap3A_371] {strides = array<i32>} : memref<2x128x128xf32, #tpu.memory_space<vmem>>, vector<1x1x16xf32>,
      %swap3A_373 = vector.shape_cast %swap3A_372 : vector<1x1x16xf32> to vector<16xf32>
      %swap3A_374 = vector.shape_cast %get3A_367 : vector<16xf32> to vector<1x1x16xf32>
      tpu.vector_store %arg8[%swap3A_369, %swap3A_370, %swap3A_371], %swap3A_374 {add = true, strides = array<i32>} : memref<2x128x128xf32, #tpu.memory_space<vmem>>, vector<1x1x16xf32>,
      %get3A_375 = arith.constant 0 : i32
      %get3A_376 = arith.index_cast %get3A_375 : i32 to index
      %get3A_377 = arith.index_cast %add3A_350 : i32 to index
      %get3A_378 = arith.constant 32 : index
      %get3A_379 = tpu.vector_load %arg9[%get3A_376, %get3A_377, %get3A_378] {strides = array<i32>} : memref<2x128x128xf32, #tpu.memory_space<vmem>>, vector<1x1x16xf32>,
      %get3A_380 = vector.shape_cast %get3A_379 : vector<1x1x16xf32> to vector<16xf32>
      %swap3A_381 = arith.constant 0 : i32
      %swap3A_382 = arith.index_cast %swap3A_381 : i32 to index
      %swap3A_383 = arith.index_cast %add3A_350 : i32 to index
      %swap3A_384 = arith.constant 32 : index
      %swap3A_385 = tpu.vector_load %arg8[%swap3A_382, %swap3A_383, %swap3A_384] {strides = array<i32>} : memref<2x128x128xf32, #tpu.memory_space<vmem>>, vector<1x1x16xf32>,
      %swap3A_386 = vector.shape_cast %swap3A_385 : vector<1x1x16xf32> to vector<16xf32>
      %swap3A_387 = vector.shape_cast %get3A_380 : vector<16xf32> to vector<1x1x16xf32>
      tpu.vector_store %arg8[%swap3A_382, %swap3A_383, %swap3A_384], %swap3A_387 {add = true, strides = array<i32>} : memref<2x128x128xf32, #tpu.memory_space<vmem>>, vector<1x1x16xf32>,
      %get3A_388 = arith.constant 0 : i32
      %get3A_389 = arith.index_cast %get3A_388 : i32 to index
      %get3A_390 = arith.index_cast %add3A_350 : i32 to index
      %get3A_391 = arith.constant 48 : index
      %get3A_392 = tpu.vector_load %arg9[%get3A_389, %get3A_390, %get3A_391] {strides = array<i32>} : memref<2x128x128xf32, #tpu.memory_space<vmem>>, vector<1x1x16xf32>,
      %get3A_393 = vector.shape_cast %get3A_392 : vector<1x1x16xf32> to vector<16xf32>
      %swap3A_394 = arith.constant 0 : i32
      %swap3A_395 = arith.index_cast %swap3A_394 : i32 to index
      %swap3A_396 = arith.index_cast %add3A_350 : i32 to index
      %swap3A_397 = arith.constant 48 : index
      %swap3A_398 = tpu.vector_load %arg8[%swap3A_395, %swap3A_396, %swap3A_397] {strides = array<i32>} : memref<2x128x128xf32, #tpu.memory_space<vmem>>, vector<1x1x16xf32>,
      %swap3A_399 = vector.shape_cast %swap3A_398 : vector<1x1x16xf32> to vector<16xf32>
      %swap3A_400 = vector.shape_cast %get3A_393 : vector<16xf32> to vector<1x1x16xf32>
      tpu.vector_store %arg8[%swap3A_395, %swap3A_396, %swap3A_397], %swap3A_400 {add = true, strides = array<i32>} : memref<2x128x128xf32, #tpu.memory_space<vmem>>, vector<1x1x16xf32>,
      %get3A_401 = arith.constant 0 : i32
      %get3A_402 = arith.index_cast %get3A_401 : i32 to index
      %get3A_403 = arith.index_cast %add3A_350 : i32 to index
      %get3A_404 = arith.constant 64 : index
      %get3A_405 = tpu.vector_load %arg9[%get3A_402, %get3A_403, %get3A_404] {strides = array<i32>} : memref<2x128x128xf32, #tpu.memory_space<vmem>>, vector<1x1x16xf32>,
      %get3A_406 = vector.shape_cast %get3A_405 : vector<1x1x16xf32> to vector<16xf32>
      %swap3A_407 = arith.constant 0 : i32
      %swap3A_408 = arith.index_cast %swap3A_407 : i32 to index
      %swap3A_409 = arith.index_cast %add3A_350 : i32 to index
      %swap3A_410 = arith.constant 64 : index
      %swap3A_411 = tpu.vector_load %arg8[%swap3A_408, %swap3A_409, %swap3A_410] {strides = array<i32>} : memref<2x128x128xf32, #tpu.memory_space<vmem>>, vector<1x1x16xf32>,
      %swap3A_412 = vector.shape_cast %swap3A_411 : vector<1x1x16xf32> to vector<16xf32>
      %swap3A_413 = vector.shape_cast %get3A_406 : vector<16xf32> to vector<1x1x16xf32>
      tpu.vector_store %arg8[%swap3A_408, %swap3A_409, %swap3A_410], %swap3A_413 {add = true, strides = array<i32>} : memref<2x128x128xf32, #tpu.memory_space<vmem>>, vector<1x1x16xf32>,
      %get3A_414 = arith.constant 0 : i32
      %get3A_415 = arith.index_cast %get3A_414 : i32 to index
      %get3A_416 = arith.index_cast %add3A_350 : i32 to index
      %get3A_417 = arith.constant 80 : index
      %get3A_418 = tpu.vector_load %arg9[%get3A_415, %get3A_416, %get3A_417] {strides = array<i32>} : memref<2x128x128xf32, #tpu.memory_space<vmem>>, vector<1x1x16xf32>,
      %get3A_419 = vector.shape_cast %get3A_418 : vector<1x1x16xf32> to vector<16xf32>
      %swap3A_420 = arith.constant 0 : i32
      %swap3A_421 = arith.index_cast %swap3A_420 : i32 to index
      %swap3A_422 = arith.index_cast %add3A_350 : i32 to index
      %swap3A_423 = arith.constant 80 : index
      %swap3A_424 = tpu.vector_load %arg8[%swap3A_421, %swap3A_422, %swap3A_423] {strides = array<i32>} : memref<2x128x128xf32, #tpu.memory_space<vmem>>, vector<1x1x16xf32>,
      %swap3A_425 = vector.shape_cast %swap3A_424 : vector<1x1x16xf32> to vector<16xf32>
      %swap3A_426 = vector.shape_cast %get3A_419 : vector<16xf32> to vector<1x1x16xf32>
      tpu.vector_store %arg8[%swap3A_421, %swap3A_422, %swap3A_423], %swap3A_426 {add = true, strides = array<i32>} : memref<2x128x128xf32, #tpu.memory_space<vmem>>, vector<1x1x16xf32>,
      %get3A_427 = arith.constant 0 : i32
      %get3A_428 = arith.index_cast %get3A_427 : i32 to index
      %get3A_429 = arith.index_cast %add3A_350 : i32 to index
      %get3A_430 = arith.constant 96 : index
      %get3A_431 = tpu.vector_load %arg9[%get3A_428, %get3A_429, %get3A_430] {strides = array<i32>} : memref<2x128x128xf32, #tpu.memory_space<vmem>>, vector<1x1x16xf32>,
      %get3A_432 = vector.shape_cast %get3A_431 : vector<1x1x16xf32> to vector<16xf32>
      %swap3A_433 = arith.constant 0 : i32
      %swap3A_434 = arith.index_cast %swap3A_433 : i32 to index
      %swap3A_435 = arith.index_cast %add3A_350 : i32 to index
      %swap3A_436 = arith.constant 96 : index
      %swap3A_437 = tpu.vector_load %arg8[%swap3A_434, %swap3A_435, %swap3A_436] {strides = array<i32>} : memref<2x128x128xf32, #tpu.memory_space<vmem>>, vector<1x1x16xf32>,
      %swap3A_438 = vector.shape_cast %swap3A_437 : vector<1x1x16xf32> to vector<16xf32>
      %swap3A_439 = vector.shape_cast %get3A_432 : vector<16xf32> to vector<1x1x16xf32>
      tpu.vector_store %arg8[%swap3A_434, %swap3A_435, %swap3A_436], %swap3A_439 {add = true, strides = array<i32>} : memref<2x128x128xf32, #tpu.memory_space<vmem>>, vector<1x1x16xf32>,
      %get3A_440 = arith.constant 0 : i32
      %get3A_441 = arith.index_cast %get3A_440 : i32 to index
      %get3A_442 = arith.index_cast %add3A_350 : i32 to index
      %get3A_443 = arith.constant 112 : index
      %get3A_444 = tpu.vector_load %arg9[%get3A_441, %get3A_442, %get3A_443] {strides = array<i32>} : memref<2x128x128xf32, #tpu.memory_space<vmem>>, vector<1x1x16xf32>,
      %get3A_445 = vector.shape_cast %get3A_444 : vector<1x1x16xf32> to vector<16xf32>
      %swap3A_446 = arith.constant 0 : i32
      %swap3A_447 = arith.index_cast %swap3A_446 : i32 to index
      %swap3A_448 = arith.index_cast %add3A_350 : i32 to index
      %swap3A_449 = arith.constant 112 : index
      %swap3A_450 = tpu.vector_load %arg8[%swap3A_447, %swap3A_448, %swap3A_449] {strides = array<i32>} : memref<2x128x128xf32, #tpu.memory_space<vmem>>, vector<1x1x16xf32>,
      %swap3A_451 = vector.shape_cast %swap3A_450 : vector<1x1x16xf32> to vector<16xf32>
      %swap3A_452 = vector.shape_cast %get3A_445 : vector<16xf32> to vector<1x1x16xf32>
      tpu.vector_store %arg8[%swap3A_447, %swap3A_448, %swap3A_449], %swap3A_452 {add = true, strides = array<i32>} : memref<2x128x128xf32, #tpu.memory_space<vmem>>, vector<1x1x16xf32>,
    }
    %scan3A_77 = arith.constant 128 : i32
    %add3A_78 = arith.constant 0 : i32
    %add3A_79 = arith.addi %mul3A_2, %add3A_78 : i32
    %mul3A_80 = arith.constant 128 : i32
    %mul3A_81 = arith.muli %add3A_79, %mul3A_80 : i32
    %add3A_82 = arith.constant 0 : i32
    %add3A_83 = arith.addi %mul3A_81, %add3A_82 : i32
    %dma_start3A_84 = arith.constant 0 : i32
    %dma_start3A_85 = arith.constant 0 : i32
    %dma_start3A_86 = arith.constant 0 : i32
    %dma_start3A_87 = tpu.memref_slice %arg8[%dma_start3A_84, %dma_start3A_85, %dma_start3A_86] : memref<2x128x128xf32, #tpu.memory_space<vmem>> -> memref<1x128x128xf32, #tpu.memory_space<vmem>>
    %dma_start3A_88 = tpu.memref_squeeze %dma_start3A_87 : memref<1x128x128xf32, #tpu.memory_space<vmem>> -> memref<128x128xf32, #tpu.memory_space<vmem>>
    %dma_start3A_89 = arith.constant 0 : i32
    %dma_start3A_90 = tpu.memref_slice %arg5[%add3A_83, %dma_start3A_89] : memref<16384x128xf32, #tpu.memory_space<hbm>> -> memref<128x128xf32, #tpu.memory_space<hbm>>
    %dma_start3A_91 = arith.constant 0 : i32
    %dma_start3A_92 = tpu.memref_slice %arg5[%add3A_83, %dma_start3A_91] : memref<16384x128xf32, #tpu.memory_space<hbm>> -> memref<128x128xf32, #tpu.memory_space<hbm>>
    %dma_start3A_93 = arith.constant 0 : i32
    %dma_start3A_94 = arith.constant 0 : i32
    %dma_start3A_95 = tpu.memref_slice %arg8[%dma_start3A_84, %dma_start3A_93, %dma_start3A_94] : memref<2x128x128xf32, #tpu.memory_space<vmem>> -> memref<1x128x128xf32, #tpu.memory_space<vmem>>
    %dma_start3A_96 = tpu.memref_squeeze %dma_start3A_95 : memref<1x128x128xf32, #tpu.memory_space<vmem>> -> memref<128x128xf32, #tpu.memory_space<vmem>>
    tpu.enqueue_dma source(%dma_start3A_96 : memref<128x128xf32, #tpu.memory_space<vmem>>) target(%dma_start3A_92 : memref<128x128xf32, #tpu.memory_space<hbm>>) target_semaphore(%arg12 : memref<!tpu.dma_semaphore, #tpu.memory_space<semaphore_mem>>)
    %dma_wait3A_97 = arith.constant 0 : i32
    %dma_wait3A_98 = arith.constant 0 : i32
    %dma_wait3A_99 = arith.constant 0 : i32
    %dma_wait3A_100 = tpu.memref_slice %arg8[%dma_wait3A_97, %dma_wait3A_98, %dma_wait3A_99] : memref<2x128x128xf32, #tpu.memory_space<vmem>> -> memref<1x128x128xf32, #tpu.memory_space<vmem>>
    %dma_wait3A_101 = tpu.memref_squeeze %dma_wait3A_100 : memref<1x128x128xf32, #tpu.memory_space<vmem>> -> memref<128x128xf32, #tpu.memory_space<vmem>>
    %dma_wait3A_102 = arith.constant 0 : i32
    %dma_wait3A_103 = tpu.memref_slice %arg5[%add3A_83, %dma_wait3A_102] : memref<16384x128xf32, #tpu.memory_space<hbm>> -> memref<128x128xf32, #tpu.memory_space<hbm>>
    %dma_wait3A_104 = arith.constant 0 : i32
    %dma_wait3A_105 = tpu.memref_slice %arg5[%add3A_83, %dma_wait3A_104] : memref<16384x128xf32, #tpu.memory_space<hbm>> -> memref<128x128xf32, #tpu.memory_space<hbm>>
    %dma_wait3A_106 = arith.constant 0 : i32
    %dma_wait3A_107 = arith.constant 0 : i32
    %dma_wait3A_108 = tpu.memref_slice %arg8[%dma_wait3A_97, %dma_wait3A_106, %dma_wait3A_107] : memref<2x128x128xf32, #tpu.memory_space<vmem>> -> memref<1x128x128xf32, #tpu.memory_space<vmem>>
    %dma_wait3A_109 = tpu.memref_squeeze %dma_wait3A_108 : memref<1x128x128xf32, #tpu.memory_space<vmem>> -> memref<128x128xf32, #tpu.memory_space<vmem>>
    tpu.wait_dma2 semaphore(%arg12 : memref<!tpu.dma_semaphore, #tpu.memory_space<semaphore_mem>>) src(%dma_wait3A_109 : memref<128x128xf32, #tpu.memory_space<vmem>>) dst(%dma_wait3A_105 : memref<128x128xf32, #tpu.memory_space<hbm>>)
    %dma_start3A_110 = arith.constant 2 : i32
    %dma_start3A_111 = arith.constant 0 : i32
    %dma_start3A_112 = arith.constant 0 : i32
    %dma_start3A_113 = arith.constant 0 : i32
    %dma_start3A_114 = tpu.memref_slice %arg8[%dma_start3A_111, %dma_start3A_112, %dma_start3A_113] : memref<2x128x128xf32, #tpu.memory_space<vmem>> -> memref<1x128x128xf32, #tpu.memory_space<vmem>>
    %dma_start3A_115 = tpu.memref_squeeze %dma_start3A_114 : memref<1x128x128xf32, #tpu.memory_space<vmem>> -> memref<128x128xf32, #tpu.memory_space<vmem>>
    %dma_start3A_116 = arith.constant 0 : i32
    %dma_start3A_117 = tpu.memref_slice %arg6[%dma_start3A_110, %dma_start3A_116] : memref<4x128xi32, #tpu.memory_space<vmem>> -> memref<1x128xi32, #tpu.memory_space<vmem>>
    %dma_start3A_118 = tpu.memref_squeeze %dma_start3A_117 : memref<1x128xi32, #tpu.memory_space<vmem>> -> memref<128xi32, #tpu.memory_space<vmem>>
    %dma_start3A_119 = arith.constant 0 : i32
    %dma_start3A_120 = arith.constant 0 : i32
    %dma_start3A_121 = tpu.memref_slice %arg4[%dma_start3A_119, %dma_start3A_120] : memref<1000000x128xf32, #tpu.memory_space<hbm>> -> memref<1000000x128xf32, #tpu.memory_space<hbm>>
    tpu.enqueue_indirect_dma source(%dma_start3A_121 : memref<1000000x128xf32, #tpu.memory_space<hbm>>) target(%dma_start3A_115 : memref<128x128xf32, #tpu.memory_space<vmem>>) offsets(%dma_start3A_118 : memref<128xi32, #tpu.memory_space<vmem>>) semaphore(%arg10 : memref<!tpu.dma_semaphore, #tpu.memory_space<semaphore_mem>>)
    %dma_start3A_122 = arith.constant 2 : i32
    %dma_start3A_123 = arith.constant 0 : i32
    %dma_start3A_124 = arith.constant 0 : i32
    %dma_start3A_125 = arith.constant 0 : i32
    %dma_start3A_126 = tpu.memref_slice %arg9[%dma_start3A_123, %dma_start3A_124, %dma_start3A_125] : memref<2x128x128xf32, #tpu.memory_space<vmem>> -> memref<1x128x128xf32, #tpu.memory_space<vmem>>
    %dma_start3A_127 = tpu.memref_squeeze %dma_start3A_126 : memref<1x128x128xf32, #tpu.memory_space<vmem>> -> memref<128x128xf32, #tpu.memory_space<vmem>>
    %dma_start3A_128 = arith.constant 0 : i32
    %dma_start3A_129 = tpu.memref_slice %arg7[%dma_start3A_122, %dma_start3A_128] : memref<4x128xi32, #tpu.memory_space<vmem>> -> memref<1x128xi32, #tpu.memory_space<vmem>>
    %dma_start3A_130 = tpu.memref_squeeze %dma_start3A_129 : memref<1x128xi32, #tpu.memory_space<vmem>> -> memref<128xi32, #tpu.memory_space<vmem>>
    %dma_start3A_131 = arith.constant 0 : i32
    %dma_start3A_132 = arith.constant 0 : i32
    %dma_start3A_133 = tpu.memref_slice %arg4[%dma_start3A_131, %dma_start3A_132] : memref<1000000x128xf32, #tpu.memory_space<hbm>> -> memref<1000000x128xf32, #tpu.memory_space<hbm>>
    tpu.enqueue_indirect_dma source(%dma_start3A_133 : memref<1000000x128xf32, #tpu.memory_space<hbm>>) target(%dma_start3A_127 : memref<128x128xf32, #tpu.memory_space<vmem>>) offsets(%dma_start3A_130 : memref<128xi32, #tpu.memory_space<vmem>>) semaphore(%arg10 : memref<!tpu.dma_semaphore, #tpu.memory_space<semaphore_mem>>)
    %dma_wait3A_134 = arith.constant 1 : i32
    %dma_wait3A_135 = arith.constant 1 : i32
    %dma_wait3A_136 = arith.constant 0 : i32
    %dma_wait3A_137 = arith.constant 0 : i32
    %dma_wait3A_138 = tpu.memref_slice %arg8[%dma_wait3A_135, %dma_wait3A_136, %dma_wait3A_137] : memref<2x128x128xf32, #tpu.memory_space<vmem>> -> memref<1x128x128xf32, #tpu.memory_space<vmem>>
    %dma_wait3A_139 = tpu.memref_squeeze %dma_wait3A_138 : memref<1x128x128xf32, #tpu.memory_space<vmem>> -> memref<128x128xf32, #tpu.memory_space<vmem>>
    %dma_wait3A_140 = arith.constant 0 : i32
    %dma_wait3A_141 = tpu.memref_slice %arg6[%dma_wait3A_134, %dma_wait3A_140] : memref<4x128xi32, #tpu.memory_space<vmem>> -> memref<1x128xi32, #tpu.memory_space<vmem>>
    %dma_wait3A_142 = tpu.memref_squeeze %dma_wait3A_141 : memref<1x128xi32, #tpu.memory_space<vmem>> -> memref<128xi32, #tpu.memory_space<vmem>>
    %dma_wait3A_143 = arith.constant 0 : i32
    %dma_wait3A_144 = arith.constant 0 : i32
    %dma_wait3A_145 = tpu.memref_slice %arg4[%dma_wait3A_143, %dma_wait3A_144] : memref<1000000x128xf32, #tpu.memory_space<hbm>> -> memref<1000000x128xf32, #tpu.memory_space<hbm>>
    tpu.wait_indirect_dma semaphore(%arg11 : memref<!tpu.dma_semaphore, #tpu.memory_space<semaphore_mem>>) src(%dma_wait3A_145 : memref<1000000x128xf32, #tpu.memory_space<hbm>>) dst(%dma_wait3A_139 : memref<128x128xf32, #tpu.memory_space<vmem>>)
    %dma_wait3A_146 = arith.constant 1 : i32
    %dma_wait3A_147 = arith.constant 1 : i32
    %dma_wait3A_148 = arith.constant 0 : i32
    %dma_wait3A_149 = arith.constant 0 : i32
    %dma_wait3A_150 = tpu.memref_slice %arg9[%dma_wait3A_147, %dma_wait3A_148, %dma_wait3A_149] : memref<2x128x128xf32, #tpu.memory_space<vmem>> -> memref<1x128x128xf32, #tpu.memory_space<vmem>>
    %dma_wait3A_151 = tpu.memref_squeeze %dma_wait3A_150 : memref<1x128x128xf32, #tpu.memory_space<vmem>> -> memref<128x128xf32, #tpu.memory_space<vmem>>
    %dma_wait3A_152 = arith.constant 0 : i32
    %dma_wait3A_153 = tpu.memref_slice %arg7[%dma_wait3A_146, %dma_wait3A_152] : memref<4x128xi32, #tpu.memory_space<vmem>> -> memref<1x128xi32, #tpu.memory_space<vmem>>
    %dma_wait3A_154 = tpu.memref_squeeze %dma_wait3A_153 : memref<1x128xi32, #tpu.memory_space<vmem>> -> memref<128xi32, #tpu.memory_space<vmem>>
    %dma_wait3A_155 = arith.constant 0 : i32
    %dma_wait3A_156 = arith.constant 0 : i32
    %dma_wait3A_157 = tpu.memref_slice %arg4[%dma_wait3A_155, %dma_wait3A_156] : memref<1000000x128xf32, #tpu.memory_space<hbm>> -> memref<1000000x128xf32, #tpu.memory_space<hbm>>
    tpu.wait_indirect_dma semaphore(%arg11 : memref<!tpu.dma_semaphore, #tpu.memory_space<semaphore_mem>>) src(%dma_wait3A_157 : memref<1000000x128xf32, #tpu.memory_space<hbm>>) dst(%dma_wait3A_151 : memref<128x128xf32, #tpu.memory_space<vmem>>)
    %scan3A_158 = arith.constant 0 : i32
    %scan3A_159 = arith.constant 0 : i32
    %scan3A_160 = arith.constant 128 : i32
    %scan3A_161 = arith.addi %scan3A_159, %scan3A_160 : i32
    %scan3A_162 = arith.constant 1 : i32
    scf.for %scan3A_344 = %scan3A_159 to %scan3A_161 step %scan3A_162  : i32 {
      %mul3A_345 = arith.constant 1 : i32
      %mul3A_346 = arith.muli %scan3A_344, %mul3A_345 : i32
      %add3A_347 = arith.constant 0 : i32
      %add3A_348 = arith.addi %add3A_347, %mul3A_346 : i32
      %add3A_349 = arith.constant 0 : i32
      %add3A_350 = arith.addi %add3A_348, %add3A_349 : i32
      %get3A = arith.constant 1 : i32
      %get3A_351 = arith.index_cast %get3A : i32 to index
      %get3A_352 = arith.index_cast %add3A_350 : i32 to index
      %get3A_353 = arith.constant 0 : index
      %get3A_354 = tpu.vector_load %arg9[%get3A_351, %get3A_352, %get3A_353] {strides = array<i32>} : memref<2x128x128xf32, #tpu.memory_space<vmem>>, vector<1x1x16xf32>,
      %get3A_355 = vector.shape_cast %get3A_354 : vector<1x1x16xf32> to vector<16xf32>
      %swap3A = arith.constant 1 : i32
      %swap3A_356 = arith.index_cast %swap3A : i32 to index
      %swap3A_357 = arith.index_cast %add3A_350 : i32 to index
      %swap3A_358 = arith.constant 0 : index
      %swap3A_359 = tpu.vector_load %arg8[%swap3A_356, %swap3A_357, %swap3A_358] {strides = array<i32>} : memref<2x128x128xf32, #tpu.memory_space<vmem>>, vector<1x1x16xf32>,
      %swap3A_360 = vector.shape_cast %swap3A_359 : vector<1x1x16xf32> to vector<16xf32>
      %swap3A_361 = vector.shape_cast %get3A_355 : vector<16xf32> to vector<1x1x16xf32>
      tpu.vector_store %arg8[%swap3A_356, %swap3A_357, %swap3A_358], %swap3A_361 {add = true, strides = array<i32>} : memref<2x128x128xf32, #tpu.memory_space<vmem>>, vector<1x1x16xf32>,
      %get3A_362 = arith.constant 1 : i32
      %get3A_363 = arith.index_cast %get3A_362 : i32 to index
      %get3A_364 = arith.index_cast %add3A_350 : i32 to index
      %get3A_365 = arith.constant 16 : index
      %get3A_366 = tpu.vector_load %arg9[%get3A_363, %get3A_364, %get3A_365] {strides = array<i32>} : memref<2x128x128xf32, #tpu.memory_space<vmem>>, vector<1x1x16xf32>,
      %get3A_367 = vector.shape_cast %get3A_366 : vector<1x1x16xf32> to vector<16xf32>
      %swap3A_368 = arith.constant 1 : i32
      %swap3A_369 = arith.index_cast %swap3A_368 : i32 to index
      %swap3A_370 = arith.index_cast %add3A_350 : i32 to index
      %swap3A_371 = arith.constant 16 : index
      %swap3A_372 = tpu.vector_load %arg8[%swap3A_369, %swap3A_370, %swap3A_371] {strides = array<i32>} : memref<2x128x128xf32, #tpu.memory_space<vmem>>, vector<1x1x16xf32>,
      %swap3A_373 = vector.shape_cast %swap3A_372 : vector<1x1x16xf32> to vector<16xf32>
      %swap3A_374 = vector.shape_cast %get3A_367 : vector<16xf32> to vector<1x1x16xf32>
      tpu.vector_store %arg8[%swap3A_369, %swap3A_370, %swap3A_371], %swap3A_374 {add = true, strides = array<i32>} : memref<2x128x128xf32, #tpu.memory_space<vmem>>, vector<1x1x16xf32>,
      %get3A_375 = arith.constant 1 : i32
      %get3A_376 = arith.index_cast %get3A_375 : i32 to index
      %get3A_377 = arith.index_cast %add3A_350 : i32 to index
      %get3A_378 = arith.constant 32 : index
      %get3A_379 = tpu.vector_load %arg9[%get3A_376, %get3A_377, %get3A_378] {strides = array<i32>} : memref<2x128x128xf32, #tpu.memory_space<vmem>>, vector<1x1x16xf32>,
      %get3A_380 = vector.shape_cast %get3A_379 : vector<1x1x16xf32> to vector<16xf32>
      %swap3A_381 = arith.constant 1 : i32
      %swap3A_382 = arith.index_cast %swap3A_381 : i32 to index
      %swap3A_383 = arith.index_cast %add3A_350 : i32 to index
      %swap3A_384 = arith.constant 32 : index
      %swap3A_385 = tpu.vector_load %arg8[%swap3A_382, %swap3A_383, %swap3A_384] {strides = array<i32>} : memref<2x128x128xf32, #tpu.memory_space<vmem>>, vector<1x1x16xf32>,
      %swap3A_386 = vector.shape_cast %swap3A_385 : vector<1x1x16xf32> to vector<16xf32>
      %swap3A_387 = vector.shape_cast %get3A_380 : vector<16xf32> to vector<1x1x16xf32>
      tpu.vector_store %arg8[%swap3A_382, %swap3A_383, %swap3A_384], %swap3A_387 {add = true, strides = array<i32>} : memref<2x128x128xf32, #tpu.memory_space<vmem>>, vector<1x1x16xf32>,
      %get3A_388 = arith.constant 1 : i32
      %get3A_389 = arith.index_cast %get3A_388 : i32 to index
      %get3A_390 = arith.index_cast %add3A_350 : i32 to index
      %get3A_391 = arith.constant 48 : index
      %get3A_392 = tpu.vector_load %arg9[%get3A_389, %get3A_390, %get3A_391] {strides = array<i32>} : memref<2x128x128xf32, #tpu.memory_space<vmem>>, vector<1x1x16xf32>,
      %get3A_393 = vector.shape_cast %get3A_392 : vector<1x1x16xf32> to vector<16xf32>
      %swap3A_394 = arith.constant 1 : i32
      %swap3A_395 = arith.index_cast %swap3A_394 : i32 to index
      %swap3A_396 = arith.index_cast %add3A_350 : i32 to index
      %swap3A_397 = arith.constant 48 : index
      %swap3A_398 = tpu.vector_load %arg8[%swap3A_395, %swap3A_396, %swap3A_397] {strides = array<i32>} : memref<2x128x128xf32, #tpu.memory_space<vmem>>, vector<1x1x16xf32>,
      %swap3A_399 = vector.shape_cast %swap3A_398 : vector<1x1x16xf32> to vector<16xf32>
      %swap3A_400 = vector.shape_cast %get3A_393 : vector<16xf32> to vector<1x1x16xf32>
      tpu.vector_store %arg8[%swap3A_395, %swap3A_396, %swap3A_397], %swap3A_400 {add = true, strides = array<i32>} : memref<2x128x128xf32, #tpu.memory_space<vmem>>, vector<1x1x16xf32>,
      %get3A_401 = arith.constant 1 : i32
      %get3A_402 = arith.index_cast %get3A_401 : i32 to index
      %get3A_403 = arith.index_cast %add3A_350 : i32 to index
      %get3A_404 = arith.constant 64 : index
      %get3A_405 = tpu.vector_load %arg9[%get3A_402, %get3A_403, %get3A_404] {strides = array<i32>} : memref<2x128x128xf32, #tpu.memory_space<vmem>>, vector<1x1x16xf32>,
      %get3A_406 = vector.shape_cast %get3A_405 : vector<1x1x16xf32> to vector<16xf32>
      %swap3A_407 = arith.constant 1 : i32
      %swap3A_408 = arith.index_cast %swap3A_407 : i32 to index
      %swap3A_409 = arith.index_cast %add3A_350 : i32 to index
      %swap3A_410 = arith.constant 64 : index
      %swap3A_411 = tpu.vector_load %arg8[%swap3A_408, %swap3A_409, %swap3A_410] {strides = array<i32>} : memref<2x128x128xf32, #tpu.memory_space<vmem>>, vector<1x1x16xf32>,
      %swap3A_412 = vector.shape_cast %swap3A_411 : vector<1x1x16xf32> to vector<16xf32>
      %swap3A_413 = vector.shape_cast %get3A_406 : vector<16xf32> to vector<1x1x16xf32>
      tpu.vector_store %arg8[%swap3A_408, %swap3A_409, %swap3A_410], %swap3A_413 {add = true, strides = array<i32>} : memref<2x128x128xf32, #tpu.memory_space<vmem>>, vector<1x1x16xf32>,
      %get3A_414 = arith.constant 1 : i32
      %get3A_415 = arith.index_cast %get3A_414 : i32 to index
      %get3A_416 = arith.index_cast %add3A_350 : i32 to index
      %get3A_417 = arith.constant 80 : index
      %get3A_418 = tpu.vector_load %arg9[%get3A_415, %get3A_416, %get3A_417] {strides = array<i32>} : memref<2x128x128xf32, #tpu.memory_space<vmem>>, vector<1x1x16xf32>,
      %get3A_419 = vector.shape_cast %get3A_418 : vector<1x1x16xf32> to vector<16xf32>
      %swap3A_420 = arith.constant 1 : i32
      %swap3A_421 = arith.index_cast %swap3A_420 : i32 to index
      %swap3A_422 = arith.index_cast %add3A_350 : i32 to index
      %swap3A_423 = arith.constant 80 : index
      %swap3A_424 = tpu.vector_load %arg8[%swap3A_421, %swap3A_422, %swap3A_423] {strides = array<i32>} : memref<2x128x128xf32, #tpu.memory_space<vmem>>, vector<1x1x16xf32>,
      %swap3A_425 = vector.shape_cast %swap3A_424 : vector<1x1x16xf32> to vector<16xf32>
      %swap3A_426 = vector.shape_cast %get3A_419 : vector<16xf32> to vector<1x1x16xf32>
      tpu.vector_store %arg8[%swap3A_421, %swap3A_422, %swap3A_423], %swap3A_426 {add = true, strides = array<i32>} : memref<2x128x128xf32, #tpu.memory_space<vmem>>, vector<1x1x16xf32>,
      %get3A_427 = arith.constant 1 : i32
      %get3A_428 = arith.index_cast %get3A_427 : i32 to index
      %get3A_429 = arith.index_cast %add3A_350 : i32 to index
      %get3A_430 = arith.constant 96 : index
      %get3A_431 = tpu.vector_load %arg9[%get3A_428, %get3A_429, %get3A_430] {strides = array<i32>} : memref<2x128x128xf32, #tpu.memory_space<vmem>>, vector<1x1x16xf32>,
      %get3A_432 = vector.shape_cast %get3A_431 : vector<1x1x16xf32> to vector<16xf32>
      %swap3A_433 = arith.constant 1 : i32
      %swap3A_434 = arith.index_cast %swap3A_433 : i32 to index
      %swap3A_435 = arith.index_cast %add3A_350 : i32 to index
      %swap3A_436 = arith.constant 96 : index
      %swap3A_437 = tpu.vector_load %arg8[%swap3A_434, %swap3A_435, %swap3A_436] {strides = array<i32>} : memref<2x128x128xf32, #tpu.memory_space<vmem>>, vector<1x1x16xf32>,
      %swap3A_438 = vector.shape_cast %swap3A_437 : vector<1x1x16xf32> to vector<16xf32>
      %swap3A_439 = vector.shape_cast %get3A_432 : vector<16xf32> to vector<1x1x16xf32>
      tpu.vector_store %arg8[%swap3A_434, %swap3A_435, %swap3A_436], %swap3A_439 {add = true, strides = array<i32>} : memref<2x128x128xf32, #tpu.memory_space<vmem>>, vector<1x1x16xf32>,
      %get3A_440 = arith.constant 1 : i32
      %get3A_441 = arith.index_cast %get3A_440 : i32 to index
      %get3A_442 = arith.index_cast %add3A_350 : i32 to index
      %get3A_443 = arith.constant 112 : index
      %get3A_444 = tpu.vector_load %arg9[%get3A_441, %get3A_442, %get3A_443] {strides = array<i32>} : memref<2x128x128xf32, #tpu.memory_space<vmem>>, vector<1x1x16xf32>,
      %get3A_445 = vector.shape_cast %get3A_444 : vector<1x1x16xf32> to vector<16xf32>
      %swap3A_446 = arith.constant 1 : i32
      %swap3A_447 = arith.index_cast %swap3A_446 : i32 to index
      %swap3A_448 = arith.index_cast %add3A_350 : i32 to index
      %swap3A_449 = arith.constant 112 : index
      %swap3A_450 = tpu.vector_load %arg8[%swap3A_447, %swap3A_448, %swap3A_449] {strides = array<i32>} : memref<2x128x128xf32, #tpu.memory_space<vmem>>, vector<1x1x16xf32>,
      %swap3A_451 = vector.shape_cast %swap3A_450 : vector<1x1x16xf32> to vector<16xf32>
      %swap3A_452 = vector.shape_cast %get3A_445 : vector<16xf32> to vector<1x1x16xf32>
      tpu.vector_store %arg8[%swap3A_447, %swap3A_448, %swap3A_449], %swap3A_452 {add = true, strides = array<i32>} : memref<2x128x128xf32, #tpu.memory_space<vmem>>, vector<1x1x16xf32>,
    }
    %scan3A_163 = arith.constant 128 : i32
    %add3A_164 = arith.constant 1 : i32
    %add3A_165 = arith.addi %mul3A_2, %add3A_164 : i32
    %mul3A_166 = arith.constant 128 : i32
    %mul3A_167 = arith.muli %add3A_165, %mul3A_166 : i32
    %add3A_168 = arith.constant 0 : i32
    %add3A_169 = arith.addi %mul3A_167, %add3A_168 : i32
    %dma_start3A_170 = arith.constant 1 : i32
    %dma_start3A_171 = arith.constant 0 : i32
    %dma_start3A_172 = arith.constant 0 : i32
    %dma_start3A_173 = tpu.memref_slice %arg8[%dma_start3A_170, %dma_start3A_171, %dma_start3A_172] : memref<2x128x128xf32, #tpu.memory_space<vmem>> -> memref<1x128x128xf32, #tpu.memory_space<vmem>>
    %dma_start3A_174 = tpu.memref_squeeze %dma_start3A_173 : memref<1x128x128xf32, #tpu.memory_space<vmem>> -> memref<128x128xf32, #tpu.memory_space<vmem>>
    %dma_start3A_175 = arith.constant 0 : i32
    %dma_start3A_176 = tpu.memref_slice %arg5[%add3A_169, %dma_start3A_175] : memref<16384x128xf32, #tpu.memory_space<hbm>> -> memref<128x128xf32, #tpu.memory_space<hbm>>
    %dma_start3A_177 = arith.constant 0 : i32
    %dma_start3A_178 = tpu.memref_slice %arg5[%add3A_169, %dma_start3A_177] : memref<16384x128xf32, #tpu.memory_space<hbm>> -> memref<128x128xf32, #tpu.memory_space<hbm>>
    %dma_start3A_179 = arith.constant 0 : i32
    %dma_start3A_180 = arith.constant 0 : i32
    %dma_start3A_181 = tpu.memref_slice %arg8[%dma_start3A_170, %dma_start3A_179, %dma_start3A_180] : memref<2x128x128xf32, #tpu.memory_space<vmem>> -> memref<1x128x128xf32, #tpu.memory_space<vmem>>
    %dma_start3A_182 = tpu.memref_squeeze %dma_start3A_181 : memref<1x128x128xf32, #tpu.memory_space<vmem>> -> memref<128x128xf32, #tpu.memory_space<vmem>>
    tpu.enqueue_dma source(%dma_start3A_182 : memref<128x128xf32, #tpu.memory_space<vmem>>) target(%dma_start3A_178 : memref<128x128xf32, #tpu.memory_space<hbm>>) target_semaphore(%arg13 : memref<!tpu.dma_semaphore, #tpu.memory_space<semaphore_mem>>)
    %dma_wait3A_183 = arith.constant 1 : i32
    %dma_wait3A_184 = arith.constant 0 : i32
    %dma_wait3A_185 = arith.constant 0 : i32
    %dma_wait3A_186 = tpu.memref_slice %arg8[%dma_wait3A_183, %dma_wait3A_184, %dma_wait3A_185] : memref<2x128x128xf32, #tpu.memory_space<vmem>> -> memref<1x128x128xf32, #tpu.memory_space<vmem>>
    %dma_wait3A_187 = tpu.memref_squeeze %dma_wait3A_186 : memref<1x128x128xf32, #tpu.memory_space<vmem>> -> memref<128x128xf32, #tpu.memory_space<vmem>>
    %dma_wait3A_188 = arith.constant 0 : i32
    %dma_wait3A_189 = tpu.memref_slice %arg5[%add3A_169, %dma_wait3A_188] : memref<16384x128xf32, #tpu.memory_space<hbm>> -> memref<128x128xf32, #tpu.memory_space<hbm>>
    %dma_wait3A_190 = arith.constant 0 : i32
    %dma_wait3A_191 = tpu.memref_slice %arg5[%add3A_169, %dma_wait3A_190] : memref<16384x128xf32, #tpu.memory_space<hbm>> -> memref<128x128xf32, #tpu.memory_space<hbm>>
    %dma_wait3A_192 = arith.constant 0 : i32
    %dma_wait3A_193 = arith.constant 0 : i32
    %dma_wait3A_194 = tpu.memref_slice %arg8[%dma_wait3A_183, %dma_wait3A_192, %dma_wait3A_193] : memref<2x128x128xf32, #tpu.memory_space<vmem>> -> memref<1x128x128xf32, #tpu.memory_space<vmem>>
    %dma_wait3A_195 = tpu.memref_squeeze %dma_wait3A_194 : memref<1x128x128xf32, #tpu.memory_space<vmem>> -> memref<128x128xf32, #tpu.memory_space<vmem>>
    tpu.wait_dma2 semaphore(%arg13 : memref<!tpu.dma_semaphore, #tpu.memory_space<semaphore_mem>>) src(%dma_wait3A_195 : memref<128x128xf32, #tpu.memory_space<vmem>>) dst(%dma_wait3A_191 : memref<128x128xf32, #tpu.memory_space<hbm>>)
    %dma_start3A_196 = arith.constant 3 : i32
    %dma_start3A_197 = arith.constant 1 : i32
    %dma_start3A_198 = arith.constant 0 : i32
    %dma_start3A_199 = arith.constant 0 : i32
    %dma_start3A_200 = tpu.memref_slice %arg8[%dma_start3A_197, %dma_start3A_198, %dma_start3A_199] : memref<2x128x128xf32, #tpu.memory_space<vmem>> -> memref<1x128x128xf32, #tpu.memory_space<vmem>>
    %dma_start3A_201 = tpu.memref_squeeze %dma_start3A_200 : memref<1x128x128xf32, #tpu.memory_space<vmem>> -> memref<128x128xf32, #tpu.memory_space<vmem>>
    %dma_start3A_202 = arith.constant 0 : i32
    %dma_start3A_203 = tpu.memref_slice %arg6[%dma_start3A_196, %dma_start3A_202] : memref<4x128xi32, #tpu.memory_space<vmem>> -> memref<1x128xi32, #tpu.memory_space<vmem>>
    %dma_start3A_204 = tpu.memref_squeeze %dma_start3A_203 : memref<1x128xi32, #tpu.memory_space<vmem>> -> memref<128xi32, #tpu.memory_space<vmem>>
    %dma_start3A_205 = arith.constant 0 : i32
    %dma_start3A_206 = arith.constant 0 : i32
    %dma_start3A_207 = tpu.memref_slice %arg4[%dma_start3A_205, %dma_start3A_206] : memref<1000000x128xf32, #tpu.memory_space<hbm>> -> memref<1000000x128xf32, #tpu.memory_space<hbm>>
    tpu.enqueue_indirect_dma source(%dma_start3A_207 : memref<1000000x128xf32, #tpu.memory_space<hbm>>) target(%dma_start3A_201 : memref<128x128xf32, #tpu.memory_space<vmem>>) offsets(%dma_start3A_204 : memref<128xi32, #tpu.memory_space<vmem>>) semaphore(%arg11 : memref<!tpu.dma_semaphore, #tpu.memory_space<semaphore_mem>>)
    %dma_start3A_208 = arith.constant 3 : i32
    %dma_start3A_209 = arith.constant 1 : i32
    %dma_start3A_210 = arith.constant 0 : i32
    %dma_start3A_211 = arith.constant 0 : i32
    %dma_start3A_212 = tpu.memref_slice %arg9[%dma_start3A_209, %dma_start3A_210, %dma_start3A_211] : memref<2x128x128xf32, #tpu.memory_space<vmem>> -> memref<1x128x128xf32, #tpu.memory_space<vmem>>
    %dma_start3A_213 = tpu.memref_squeeze %dma_start3A_212 : memref<1x128x128xf32, #tpu.memory_space<vmem>> -> memref<128x128xf32, #tpu.memory_space<vmem>>
    %dma_start3A_214 = arith.constant 0 : i32
    %dma_start3A_215 = tpu.memref_slice %arg7[%dma_start3A_208, %dma_start3A_214] : memref<4x128xi32, #tpu.memory_space<vmem>> -> memref<1x128xi32, #tpu.memory_space<vmem>>
    %dma_start3A_216 = tpu.memref_squeeze %dma_start3A_215 : memref<1x128xi32, #tpu.memory_space<vmem>> -> memref<128xi32, #tpu.memory_space<vmem>>
    %dma_start3A_217 = arith.constant 0 : i32
    %dma_start3A_218 = arith.constant 0 : i32
    %dma_start3A_219 = tpu.memref_slice %arg4[%dma_start3A_217, %dma_start3A_218] : memref<1000000x128xf32, #tpu.memory_space<hbm>> -> memref<1000000x128xf32, #tpu.memory_space<hbm>>
    tpu.enqueue_indirect_dma source(%dma_start3A_219 : memref<1000000x128xf32, #tpu.memory_space<hbm>>) target(%dma_start3A_213 : memref<128x128xf32, #tpu.memory_space<vmem>>) offsets(%dma_start3A_216 : memref<128xi32, #tpu.memory_space<vmem>>) semaphore(%arg11 : memref<!tpu.dma_semaphore, #tpu.memory_space<semaphore_mem>>)
    %dma_wait3A_220 = arith.constant 2 : i32
    %dma_wait3A_221 = arith.constant 0 : i32
    %dma_wait3A_222 = arith.constant 0 : i32
    %dma_wait3A_223 = arith.constant 0 : i32
    %dma_wait3A_224 = tpu.memref_slice %arg8[%dma_wait3A_221, %dma_wait3A_222, %dma_wait3A_223] : memref<2x128x128xf32, #tpu.memory_space<vmem>> -> memref<1x128x128xf32, #tpu.memory_space<vmem>>
    %dma_wait3A_225 = tpu.memref_squeeze %dma_wait3A_224 : memref<1x128x128xf32, #tpu.memory_space<vmem>> -> memref<128x128xf32, #tpu.memory_space<vmem>>
    %dma_wait3A_226 = arith.constant 0 : i32
    %dma_wait3A_227 = tpu.memref_slice %arg6[%dma_wait3A_220, %dma_wait3A_226] : memref<4x128xi32, #tpu.memory_space<vmem>> -> memref<1x128xi32, #tpu.memory_space<vmem>>
    %dma_wait3A_228 = tpu.memref_squeeze %dma_wait3A_227 : memref<1x128xi32, #tpu.memory_space<vmem>> -> memref<128xi32, #tpu.memory_space<vmem>>
    %dma_wait3A_229 = arith.constant 0 : i32
    %dma_wait3A_230 = arith.constant 0 : i32
    %dma_wait3A_231 = tpu.memref_slice %arg4[%dma_wait3A_229, %dma_wait3A_230] : memref<1000000x128xf32, #tpu.memory_space<hbm>> -> memref<1000000x128xf32, #tpu.memory_space<hbm>>
    tpu.wait_indirect_dma semaphore(%arg10 : memref<!tpu.dma_semaphore, #tpu.memory_space<semaphore_mem>>) src(%dma_wait3A_231 : memref<1000000x128xf32, #tpu.memory_space<hbm>>) dst(%dma_wait3A_225 : memref<128x128xf32, #tpu.memory_space<vmem>>)
    %dma_wait3A_232 = arith.constant 2 : i32
    %dma_wait3A_233 = arith.constant 0 : i32
    %dma_wait3A_234 = arith.constant 0 : i32
    %dma_wait3A_235 = arith.constant 0 : i32
    %dma_wait3A_236 = tpu.memref_slice %arg9[%dma_wait3A_233, %dma_wait3A_234, %dma_wait3A_235] : memref<2x128x128xf32, #tpu.memory_space<vmem>> -> memref<1x128x128xf32, #tpu.memory_space<vmem>>
    %dma_wait3A_237 = tpu.memref_squeeze %dma_wait3A_236 : memref<1x128x128xf32, #tpu.memory_space<vmem>> -> memref<128x128xf32, #tpu.memory_space<vmem>>
    %dma_wait3A_238 = arith.constant 0 : i32
    %dma_wait3A_239 = tpu.memref_slice %arg7[%dma_wait3A_232, %dma_wait3A_238] : memref<4x128xi32, #tpu.memory_space<vmem>> -> memref<1x128xi32, #tpu.memory_space<vmem>>
    %dma_wait3A_240 = tpu.memref_squeeze %dma_wait3A_239 : memref<1x128xi32, #tpu.memory_space<vmem>> -> memref<128xi32, #tpu.memory_space<vmem>>
    %dma_wait3A_241 = arith.constant 0 : i32
    %dma_wait3A_242 = arith.constant 0 : i32
    %dma_wait3A_243 = tpu.memref_slice %arg4[%dma_wait3A_241, %dma_wait3A_242] : memref<1000000x128xf32, #tpu.memory_space<hbm>> -> memref<1000000x128xf32, #tpu.memory_space<hbm>>
    tpu.wait_indirect_dma semaphore(%arg10 : memref<!tpu.dma_semaphore, #tpu.memory_space<semaphore_mem>>) src(%dma_wait3A_243 : memref<1000000x128xf32, #tpu.memory_space<hbm>>) dst(%dma_wait3A_237 : memref<128x128xf32, #tpu.memory_space<vmem>>)
    %scan3A_244 = arith.constant 0 : i32
    %scan3A_245 = arith.constant 0 : i32
    %scan3A_246 = arith.constant 128 : i32
    %scan3A_247 = arith.addi %scan3A_245, %scan3A_246 : i32
    %scan3A_248 = arith.constant 1 : i32
    scf.for %scan3A_344 = %scan3A_245 to %scan3A_247 step %scan3A_248  : i32 {
      %mul3A_345 = arith.constant 1 : i32
      %mul3A_346 = arith.muli %scan3A_344, %mul3A_345 : i32
      %add3A_347 = arith.constant 0 : i32
      %add3A_348 = arith.addi %add3A_347, %mul3A_346 : i32
      %add3A_349 = arith.constant 0 : i32
      %add3A_350 = arith.addi %add3A_348, %add3A_349 : i32
      %get3A = arith.constant 0 : i32
      %get3A_351 = arith.index_cast %get3A : i32 to index
      %get3A_352 = arith.index_cast %add3A_350 : i32 to index
      %get3A_353 = arith.constant 0 : index
      %get3A_354 = tpu.vector_load %arg9[%get3A_351, %get3A_352, %get3A_353] {strides = array<i32>} : memref<2x128x128xf32, #tpu.memory_space<vmem>>, vector<1x1x16xf32>,
      %get3A_355 = vector.shape_cast %get3A_354 : vector<1x1x16xf32> to vector<16xf32>
      %swap3A = arith.constant 0 : i32
      %swap3A_356 = arith.index_cast %swap3A : i32 to index
      %swap3A_357 = arith.index_cast %add3A_350 : i32 to index
      %swap3A_358 = arith.constant 0 : index
      %swap3A_359 = tpu.vector_load %arg8[%swap3A_356, %swap3A_357, %swap3A_358] {strides = array<i32>} : memref<2x128x128xf32, #tpu.memory_space<vmem>>, vector<1x1x16xf32>,
      %swap3A_360 = vector.shape_cast %swap3A_359 : vector<1x1x16xf32> to vector<16xf32>
      %swap3A_361 = vector.shape_cast %get3A_355 : vector<16xf32> to vector<1x1x16xf32>
      tpu.vector_store %arg8[%swap3A_356, %swap3A_357, %swap3A_358], %swap3A_361 {add = true, strides = array<i32>} : memref<2x128x128xf32, #tpu.memory_space<vmem>>, vector<1x1x16xf32>,
      %get3A_362 = arith.constant 0 : i32
      %get3A_363 = arith.index_cast %get3A_362 : i32 to index
      %get3A_364 = arith.index_cast %add3A_350 : i32 to index
      %get3A_365 = arith.constant 16 : index
      %get3A_366 = tpu.vector_load %arg9[%get3A_363, %get3A_364, %get3A_365] {strides = array<i32>} : memref<2x128x128xf32, #tpu.memory_space<vmem>>, vector<1x1x16xf32>,
      %get3A_367 = vector.shape_cast %get3A_366 : vector<1x1x16xf32> to vector<16xf32>
      %swap3A_368 = arith.constant 0 : i32
      %swap3A_369 = arith.index_cast %swap3A_368 : i32 to index
      %swap3A_370 = arith.index_cast %add3A_350 : i32 to index
      %swap3A_371 = arith.constant 16 : index
      %swap3A_372 = tpu.vector_load %arg8[%swap3A_369, %swap3A_370, %swap3A_371] {strides = array<i32>} : memref<2x128x128xf32, #tpu.memory_space<vmem>>, vector<1x1x16xf32>,
      %swap3A_373 = vector.shape_cast %swap3A_372 : vector<1x1x16xf32> to vector<16xf32>
      %swap3A_374 = vector.shape_cast %get3A_367 : vector<16xf32> to vector<1x1x16xf32>
      tpu.vector_store %arg8[%swap3A_369, %swap3A_370, %swap3A_371], %swap3A_374 {add = true, strides = array<i32>} : memref<2x128x128xf32, #tpu.memory_space<vmem>>, vector<1x1x16xf32>,
      %get3A_375 = arith.constant 0 : i32
      %get3A_376 = arith.index_cast %get3A_375 : i32 to index
      %get3A_377 = arith.index_cast %add3A_350 : i32 to index
      %get3A_378 = arith.constant 32 : index
      %get3A_379 = tpu.vector_load %arg9[%get3A_376, %get3A_377, %get3A_378] {strides = array<i32>} : memref<2x128x128xf32, #tpu.memory_space<vmem>>, vector<1x1x16xf32>,
      %get3A_380 = vector.shape_cast %get3A_379 : vector<1x1x16xf32> to vector<16xf32>
      %swap3A_381 = arith.constant 0 : i32
      %swap3A_382 = arith.index_cast %swap3A_381 : i32 to index
      %swap3A_383 = arith.index_cast %add3A_350 : i32 to index
      %swap3A_384 = arith.constant 32 : index
      %swap3A_385 = tpu.vector_load %arg8[%swap3A_382, %swap3A_383, %swap3A_384] {strides = array<i32>} : memref<2x128x128xf32, #tpu.memory_space<vmem>>, vector<1x1x16xf32>,
      %swap3A_386 = vector.shape_cast %swap3A_385 : vector<1x1x16xf32> to vector<16xf32>
      %swap3A_387 = vector.shape_cast %get3A_380 : vector<16xf32> to vector<1x1x16xf32>
      tpu.vector_store %arg8[%swap3A_382, %swap3A_383, %swap3A_384], %swap3A_387 {add = true, strides = array<i32>} : memref<2x128x128xf32, #tpu.memory_space<vmem>>, vector<1x1x16xf32>,
      %get3A_388 = arith.constant 0 : i32
      %get3A_389 = arith.index_cast %get3A_388 : i32 to index
      %get3A_390 = arith.index_cast %add3A_350 : i32 to index
      %get3A_391 = arith.constant 48 : index
      %get3A_392 = tpu.vector_load %arg9[%get3A_389, %get3A_390, %get3A_391] {strides = array<i32>} : memref<2x128x128xf32, #tpu.memory_space<vmem>>, vector<1x1x16xf32>,
      %get3A_393 = vector.shape_cast %get3A_392 : vector<1x1x16xf32> to vector<16xf32>
      %swap3A_394 = arith.constant 0 : i32
      %swap3A_395 = arith.index_cast %swap3A_394 : i32 to index
      %swap3A_396 = arith.index_cast %add3A_350 : i32 to index
      %swap3A_397 = arith.constant 48 : index
      %swap3A_398 = tpu.vector_load %arg8[%swap3A_395, %swap3A_396, %swap3A_397] {strides = array<i32>} : memref<2x128x128xf32, #tpu.memory_space<vmem>>, vector<1x1x16xf32>,
      %swap3A_399 = vector.shape_cast %swap3A_398 : vector<1x1x16xf32> to vector<16xf32>
      %swap3A_400 = vector.shape_cast %get3A_393 : vector<16xf32> to vector<1x1x16xf32>
      tpu.vector_store %arg8[%swap3A_395, %swap3A_396, %swap3A_397], %swap3A_400 {add = true, strides = array<i32>} : memref<2x128x128xf32, #tpu.memory_space<vmem>>, vector<1x1x16xf32>,
      %get3A_401 = arith.constant 0 : i32
      %get3A_402 = arith.index_cast %get3A_401 : i32 to index
      %get3A_403 = arith.index_cast %add3A_350 : i32 to index
      %get3A_404 = arith.constant 64 : index
      %get3A_405 = tpu.vector_load %arg9[%get3A_402, %get3A_403, %get3A_404] {strides = array<i32>} : memref<2x128x128xf32, #tpu.memory_space<vmem>>, vector<1x1x16xf32>,
      %get3A_406 = vector.shape_cast %get3A_405 : vector<1x1x16xf32> to vector<16xf32>
      %swap3A_407 = arith.constant 0 : i32
      %swap3A_408 = arith.index_cast %swap3A_407 : i32 to index
      %swap3A_409 = arith.index_cast %add3A_350 : i32 to index
      %swap3A_410 = arith.constant 64 : index
      %swap3A_411 = tpu.vector_load %arg8[%swap3A_408, %swap3A_409, %swap3A_410] {strides = array<i32>} : memref<2x128x128xf32, #tpu.memory_space<vmem>>, vector<1x1x16xf32>,
      %swap3A_412 = vector.shape_cast %swap3A_411 : vector<1x1x16xf32> to vector<16xf32>
      %swap3A_413 = vector.shape_cast %get3A_406 : vector<16xf32> to vector<1x1x16xf32>
      tpu.vector_store %arg8[%swap3A_408, %swap3A_409, %swap3A_410], %swap3A_413 {add = true, strides = array<i32>} : memref<2x128x128xf32, #tpu.memory_space<vmem>>, vector<1x1x16xf32>,
      %get3A_414 = arith.constant 0 : i32
      %get3A_415 = arith.index_cast %get3A_414 : i32 to index
      %get3A_416 = arith.index_cast %add3A_350 : i32 to index
      %get3A_417 = arith.constant 80 : index
      %get3A_418 = tpu.vector_load %arg9[%get3A_415, %get3A_416, %get3A_417] {strides = array<i32>} : memref<2x128x128xf32, #tpu.memory_space<vmem>>, vector<1x1x16xf32>,
      %get3A_419 = vector.shape_cast %get3A_418 : vector<1x1x16xf32> to vector<16xf32>
      %swap3A_420 = arith.constant 0 : i32
      %swap3A_421 = arith.index_cast %swap3A_420 : i32 to index
      %swap3A_422 = arith.index_cast %add3A_350 : i32 to index
      %swap3A_423 = arith.constant 80 : index
      %swap3A_424 = tpu.vector_load %arg8[%swap3A_421, %swap3A_422, %swap3A_423] {strides = array<i32>} : memref<2x128x128xf32, #tpu.memory_space<vmem>>, vector<1x1x16xf32>,
      %swap3A_425 = vector.shape_cast %swap3A_424 : vector<1x1x16xf32> to vector<16xf32>
      %swap3A_426 = vector.shape_cast %get3A_419 : vector<16xf32> to vector<1x1x16xf32>
      tpu.vector_store %arg8[%swap3A_421, %swap3A_422, %swap3A_423], %swap3A_426 {add = true, strides = array<i32>} : memref<2x128x128xf32, #tpu.memory_space<vmem>>, vector<1x1x16xf32>,
      %get3A_427 = arith.constant 0 : i32
      %get3A_428 = arith.index_cast %get3A_427 : i32 to index
      %get3A_429 = arith.index_cast %add3A_350 : i32 to index
      %get3A_430 = arith.constant 96 : index
      %get3A_431 = tpu.vector_load %arg9[%get3A_428, %get3A_429, %get3A_430] {strides = array<i32>} : memref<2x128x128xf32, #tpu.memory_space<vmem>>, vector<1x1x16xf32>,
      %get3A_432 = vector.shape_cast %get3A_431 : vector<1x1x16xf32> to vector<16xf32>
      %swap3A_433 = arith.constant 0 : i32
      %swap3A_434 = arith.index_cast %swap3A_433 : i32 to index
      %swap3A_435 = arith.index_cast %add3A_350 : i32 to index
      %swap3A_436 = arith.constant 96 : index
      %swap3A_437 = tpu.vector_load %arg8[%swap3A_434, %swap3A_435, %swap3A_436] {strides = array<i32>} : memref<2x128x128xf32, #tpu.memory_space<vmem>>, vector<1x1x16xf32>,
      %swap3A_438 = vector.shape_cast %swap3A_437 : vector<1x1x16xf32> to vector<16xf32>
      %swap3A_439 = vector.shape_cast %get3A_432 : vector<16xf32> to vector<1x1x16xf32>
      tpu.vector_store %arg8[%swap3A_434, %swap3A_435, %swap3A_436], %swap3A_439 {add = true, strides = array<i32>} : memref<2x128x128xf32, #tpu.memory_space<vmem>>, vector<1x1x16xf32>,
      %get3A_440 = arith.constant 0 : i32
      %get3A_441 = arith.index_cast %get3A_440 : i32 to index
      %get3A_442 = arith.index_cast %add3A_350 : i32 to index
      %get3A_443 = arith.constant 112 : index
      %get3A_444 = tpu.vector_load %arg9[%get3A_441, %get3A_442, %get3A_443] {strides = array<i32>} : memref<2x128x128xf32, #tpu.memory_space<vmem>>, vector<1x1x16xf32>,
      %get3A_445 = vector.shape_cast %get3A_444 : vector<1x1x16xf32> to vector<16xf32>
      %swap3A_446 = arith.constant 0 : i32
      %swap3A_447 = arith.index_cast %swap3A_446 : i32 to index
      %swap3A_448 = arith.index_cast %add3A_350 : i32 to index
      %swap3A_449 = arith.constant 112 : index
      %swap3A_450 = tpu.vector_load %arg8[%swap3A_447, %swap3A_448, %swap3A_449] {strides = array<i32>} : memref<2x128x128xf32, #tpu.memory_space<vmem>>, vector<1x1x16xf32>,
      %swap3A_451 = vector.shape_cast %swap3A_450 : vector<1x1x16xf32> to vector<16xf32>
      %swap3A_452 = vector.shape_cast %get3A_445 : vector<16xf32> to vector<1x1x16xf32>
      tpu.vector_store %arg8[%swap3A_447, %swap3A_448, %swap3A_449], %swap3A_452 {add = true, strides = array<i32>} : memref<2x128x128xf32, #tpu.memory_space<vmem>>, vector<1x1x16xf32>,
    }
    %scan3A_249 = arith.constant 128 : i32
    %add3A_250 = arith.constant 2 : i32
    %add3A_251 = arith.addi %mul3A_2, %add3A_250 : i32
    %mul3A_252 = arith.constant 128 : i32
    %mul3A_253 = arith.muli %add3A_251, %mul3A_252 : i32
    %add3A_254 = arith.constant 0 : i32
    %add3A_255 = arith.addi %mul3A_253, %add3A_254 : i32
    %dma_start3A_256 = arith.constant 0 : i32
    %dma_start3A_257 = arith.constant 0 : i32
    %dma_start3A_258 = arith.constant 0 : i32
    %dma_start3A_259 = tpu.memref_slice %arg8[%dma_start3A_256, %dma_start3A_257, %dma_start3A_258] : memref<2x128x128xf32, #tpu.memory_space<vmem>> -> memref<1x128x128xf32, #tpu.memory_space<vmem>>
    %dma_start3A_260 = tpu.memref_squeeze %dma_start3A_259 : memref<1x128x128xf32, #tpu.memory_space<vmem>> -> memref<128x128xf32, #tpu.memory_space<vmem>>
    %dma_start3A_261 = arith.constant 0 : i32
    %dma_start3A_262 = tpu.memref_slice %arg5[%add3A_255, %dma_start3A_261] : memref<16384x128xf32, #tpu.memory_space<hbm>> -> memref<128x128xf32, #tpu.memory_space<hbm>>
    %dma_start3A_263 = arith.constant 0 : i32
    %dma_start3A_264 = tpu.memref_slice %arg5[%add3A_255, %dma_start3A_263] : memref<16384x128xf32, #tpu.memory_space<hbm>> -> memref<128x128xf32, #tpu.memory_space<hbm>>
    %dma_start3A_265 = arith.constant 0 : i32
    %dma_start3A_266 = arith.constant 0 : i32
    %dma_start3A_267 = tpu.memref_slice %arg8[%dma_start3A_256, %dma_start3A_265, %dma_start3A_266] : memref<2x128x128xf32, #tpu.memory_space<vmem>> -> memref<1x128x128xf32, #tpu.memory_space<vmem>>
    %dma_start3A_268 = tpu.memref_squeeze %dma_start3A_267 : memref<1x128x128xf32, #tpu.memory_space<vmem>> -> memref<128x128xf32, #tpu.memory_space<vmem>>
    tpu.enqueue_dma source(%dma_start3A_268 : memref<128x128xf32, #tpu.memory_space<vmem>>) target(%dma_start3A_264 : memref<128x128xf32, #tpu.memory_space<hbm>>) target_semaphore(%arg12 : memref<!tpu.dma_semaphore, #tpu.memory_space<semaphore_mem>>)
    %dma_wait3A_269 = arith.constant 3 : i32
    %dma_wait3A_270 = arith.constant 1 : i32
    %dma_wait3A_271 = arith.constant 0 : i32
    %dma_wait3A_272 = arith.constant 0 : i32
    %dma_wait3A_273 = tpu.memref_slice %arg8[%dma_wait3A_270, %dma_wait3A_271, %dma_wait3A_272] : memref<2x128x128xf32, #tpu.memory_space<vmem>> -> memref<1x128x128xf32, #tpu.memory_space<vmem>>
    %dma_wait3A_274 = tpu.memref_squeeze %dma_wait3A_273 : memref<1x128x128xf32, #tpu.memory_space<vmem>> -> memref<128x128xf32, #tpu.memory_space<vmem>>
    %dma_wait3A_275 = arith.constant 0 : i32
    %dma_wait3A_276 = tpu.memref_slice %arg6[%dma_wait3A_269, %dma_wait3A_275] : memref<4x128xi32, #tpu.memory_space<vmem>> -> memref<1x128xi32, #tpu.memory_space<vmem>>
    %dma_wait3A_277 = tpu.memref_squeeze %dma_wait3A_276 : memref<1x128xi32, #tpu.memory_space<vmem>> -> memref<128xi32, #tpu.memory_space<vmem>>
    %dma_wait3A_278 = arith.constant 0 : i32
    %dma_wait3A_279 = arith.constant 0 : i32
    %dma_wait3A_280 = tpu.memref_slice %arg4[%dma_wait3A_278, %dma_wait3A_279] : memref<1000000x128xf32, #tpu.memory_space<hbm>> -> memref<1000000x128xf32, #tpu.memory_space<hbm>>
    tpu.wait_indirect_dma semaphore(%arg11 : memref<!tpu.dma_semaphore, #tpu.memory_space<semaphore_mem>>) src(%dma_wait3A_280 : memref<1000000x128xf32, #tpu.memory_space<hbm>>) dst(%dma_wait3A_274 : memref<128x128xf32, #tpu.memory_space<vmem>>)
    %dma_wait3A_281 = arith.constant 3 : i32
    %dma_wait3A_282 = arith.constant 1 : i32
    %dma_wait3A_283 = arith.constant 0 : i32
    %dma_wait3A_284 = arith.constant 0 : i32
    %dma_wait3A_285 = tpu.memref_slice %arg9[%dma_wait3A_282, %dma_wait3A_283, %dma_wait3A_284] : memref<2x128x128xf32, #tpu.memory_space<vmem>> -> memref<1x128x128xf32, #tpu.memory_space<vmem>>
    %dma_wait3A_286 = tpu.memref_squeeze %dma_wait3A_285 : memref<1x128x128xf32, #tpu.memory_space<vmem>> -> memref<128x128xf32, #tpu.memory_space<vmem>>
    %dma_wait3A_287 = arith.constant 0 : i32
    %dma_wait3A_288 = tpu.memref_slice %arg7[%dma_wait3A_281, %dma_wait3A_287] : memref<4x128xi32, #tpu.memory_space<vmem>> -> memref<1x128xi32, #tpu.memory_space<vmem>>
    %dma_wait3A_289 = tpu.memref_squeeze %dma_wait3A_288 : memref<1x128xi32, #tpu.memory_space<vmem>> -> memref<128xi32, #tpu.memory_space<vmem>>
    %dma_wait3A_290 = arith.constant 0 : i32
    %dma_wait3A_291 = arith.constant 0 : i32
    %dma_wait3A_292 = tpu.memref_slice %arg4[%dma_wait3A_290, %dma_wait3A_291] : memref<1000000x128xf32, #tpu.memory_space<hbm>> -> memref<1000000x128xf32, #tpu.memory_space<hbm>>
    tpu.wait_indirect_dma semaphore(%arg11 : memref<!tpu.dma_semaphore, #tpu.memory_space<semaphore_mem>>) src(%dma_wait3A_292 : memref<1000000x128xf32, #tpu.memory_space<hbm>>) dst(%dma_wait3A_286 : memref<128x128xf32, #tpu.memory_space<vmem>>)
    %scan3A_293 = arith.constant 0 : i32
    %scan3A_294 = arith.constant 0 : i32
    %scan3A_295 = arith.constant 128 : i32
    %scan3A_296 = arith.addi %scan3A_294, %scan3A_295 : i32
    %scan3A_297 = arith.constant 1 : i32
    scf.for %scan3A_344 = %scan3A_294 to %scan3A_296 step %scan3A_297  : i32 {
      %mul3A_345 = arith.constant 1 : i32
      %mul3A_346 = arith.muli %scan3A_344, %mul3A_345 : i32
      %add3A_347 = arith.constant 0 : i32
      %add3A_348 = arith.addi %add3A_347, %mul3A_346 : i32
      %add3A_349 = arith.constant 0 : i32
      %add3A_350 = arith.addi %add3A_348, %add3A_349 : i32
      %get3A = arith.constant 1 : i32
      %get3A_351 = arith.index_cast %get3A : i32 to index
      %get3A_352 = arith.index_cast %add3A_350 : i32 to index
      %get3A_353 = arith.constant 0 : index
      %get3A_354 = tpu.vector_load %arg9[%get3A_351, %get3A_352, %get3A_353] {strides = array<i32>} : memref<2x128x128xf32, #tpu.memory_space<vmem>>, vector<1x1x16xf32>,
      %get3A_355 = vector.shape_cast %get3A_354 : vector<1x1x16xf32> to vector<16xf32>
      %swap3A = arith.constant 1 : i32
      %swap3A_356 = arith.index_cast %swap3A : i32 to index
      %swap3A_357 = arith.index_cast %add3A_350 : i32 to index
      %swap3A_358 = arith.constant 0 : index
      %swap3A_359 = tpu.vector_load %arg8[%swap3A_356, %swap3A_357, %swap3A_358] {strides = array<i32>} : memref<2x128x128xf32, #tpu.memory_space<vmem>>, vector<1x1x16xf32>,
      %swap3A_360 = vector.shape_cast %swap3A_359 : vector<1x1x16xf32> to vector<16xf32>
      %swap3A_361 = vector.shape_cast %get3A_355 : vector<16xf32> to vector<1x1x16xf32>
      tpu.vector_store %arg8[%swap3A_356, %swap3A_357, %swap3A_358], %swap3A_361 {add = true, strides = array<i32>} : memref<2x128x128xf32, #tpu.memory_space<vmem>>, vector<1x1x16xf32>,
      %get3A_362 = arith.constant 1 : i32
      %get3A_363 = arith.index_cast %get3A_362 : i32 to index
      %get3A_364 = arith.index_cast %add3A_350 : i32 to index
      %get3A_365 = arith.constant 16 : index
      %get3A_366 = tpu.vector_load %arg9[%get3A_363, %get3A_364, %get3A_365] {strides = array<i32>} : memref<2x128x128xf32, #tpu.memory_space<vmem>>, vector<1x1x16xf32>,
      %get3A_367 = vector.shape_cast %get3A_366 : vector<1x1x16xf32> to vector<16xf32>
      %swap3A_368 = arith.constant 1 : i32
      %swap3A_369 = arith.index_cast %swap3A_368 : i32 to index
      %swap3A_370 = arith.index_cast %add3A_350 : i32 to index
      %swap3A_371 = arith.constant 16 : index
      %swap3A_372 = tpu.vector_load %arg8[%swap3A_369, %swap3A_370, %swap3A_371] {strides = array<i32>} : memref<2x128x128xf32, #tpu.memory_space<vmem>>, vector<1x1x16xf32>,
      %swap3A_373 = vector.shape_cast %swap3A_372 : vector<1x1x16xf32> to vector<16xf32>
      %swap3A_374 = vector.shape_cast %get3A_367 : vector<16xf32> to vector<1x1x16xf32>
      tpu.vector_store %arg8[%swap3A_369, %swap3A_370, %swap3A_371], %swap3A_374 {add = true, strides = array<i32>} : memref<2x128x128xf32, #tpu.memory_space<vmem>>, vector<1x1x16xf32>,
      %get3A_375 = arith.constant 1 : i32
      %get3A_376 = arith.index_cast %get3A_375 : i32 to index
      %get3A_377 = arith.index_cast %add3A_350 : i32 to index
      %get3A_378 = arith.constant 32 : index
      %get3A_379 = tpu.vector_load %arg9[%get3A_376, %get3A_377, %get3A_378] {strides = array<i32>} : memref<2x128x128xf32, #tpu.memory_space<vmem>>, vector<1x1x16xf32>,
      %get3A_380 = vector.shape_cast %get3A_379 : vector<1x1x16xf32> to vector<16xf32>
      %swap3A_381 = arith.constant 1 : i32
      %swap3A_382 = arith.index_cast %swap3A_381 : i32 to index
      %swap3A_383 = arith.index_cast %add3A_350 : i32 to index
      %swap3A_384 = arith.constant 32 : index
      %swap3A_385 = tpu.vector_load %arg8[%swap3A_382, %swap3A_383, %swap3A_384] {strides = array<i32>} : memref<2x128x128xf32, #tpu.memory_space<vmem>>, vector<1x1x16xf32>,
      %swap3A_386 = vector.shape_cast %swap3A_385 : vector<1x1x16xf32> to vector<16xf32>
      %swap3A_387 = vector.shape_cast %get3A_380 : vector<16xf32> to vector<1x1x16xf32>
      tpu.vector_store %arg8[%swap3A_382, %swap3A_383, %swap3A_384], %swap3A_387 {add = true, strides = array<i32>} : memref<2x128x128xf32, #tpu.memory_space<vmem>>, vector<1x1x16xf32>,
      %get3A_388 = arith.constant 1 : i32
      %get3A_389 = arith.index_cast %get3A_388 : i32 to index
      %get3A_390 = arith.index_cast %add3A_350 : i32 to index
      %get3A_391 = arith.constant 48 : index
      %get3A_392 = tpu.vector_load %arg9[%get3A_389, %get3A_390, %get3A_391] {strides = array<i32>} : memref<2x128x128xf32, #tpu.memory_space<vmem>>, vector<1x1x16xf32>,
      %get3A_393 = vector.shape_cast %get3A_392 : vector<1x1x16xf32> to vector<16xf32>
      %swap3A_394 = arith.constant 1 : i32
      %swap3A_395 = arith.index_cast %swap3A_394 : i32 to index
      %swap3A_396 = arith.index_cast %add3A_350 : i32 to index
      %swap3A_397 = arith.constant 48 : index
      %swap3A_398 = tpu.vector_load %arg8[%swap3A_395, %swap3A_396, %swap3A_397] {strides = array<i32>} : memref<2x128x128xf32, #tpu.memory_space<vmem>>, vector<1x1x16xf32>,
      %swap3A_399 = vector.shape_cast %swap3A_398 : vector<1x1x16xf32> to vector<16xf32>
      %swap3A_400 = vector.shape_cast %get3A_393 : vector<16xf32> to vector<1x1x16xf32>
      tpu.vector_store %arg8[%swap3A_395, %swap3A_396, %swap3A_397], %swap3A_400 {add = true, strides = array<i32>} : memref<2x128x128xf32, #tpu.memory_space<vmem>>, vector<1x1x16xf32>,
      %get3A_401 = arith.constant 1 : i32
      %get3A_402 = arith.index_cast %get3A_401 : i32 to index
      %get3A_403 = arith.index_cast %add3A_350 : i32 to index
      %get3A_404 = arith.constant 64 : index
      %get3A_405 = tpu.vector_load %arg9[%get3A_402, %get3A_403, %get3A_404] {strides = array<i32>} : memref<2x128x128xf32, #tpu.memory_space<vmem>>, vector<1x1x16xf32>,
      %get3A_406 = vector.shape_cast %get3A_405 : vector<1x1x16xf32> to vector<16xf32>
      %swap3A_407 = arith.constant 1 : i32
      %swap3A_408 = arith.index_cast %swap3A_407 : i32 to index
      %swap3A_409 = arith.index_cast %add3A_350 : i32 to index
      %swap3A_410 = arith.constant 64 : index
      %swap3A_411 = tpu.vector_load %arg8[%swap3A_408, %swap3A_409, %swap3A_410] {strides = array<i32>} : memref<2x128x128xf32, #tpu.memory_space<vmem>>, vector<1x1x16xf32>,
      %swap3A_412 = vector.shape_cast %swap3A_411 : vector<1x1x16xf32> to vector<16xf32>
      %swap3A_413 = vector.shape_cast %get3A_406 : vector<16xf32> to vector<1x1x16xf32>
      tpu.vector_store %arg8[%swap3A_408, %swap3A_409, %swap3A_410], %swap3A_413 {add = true, strides = array<i32>} : memref<2x128x128xf32, #tpu.memory_space<vmem>>, vector<1x1x16xf32>,
      %get3A_414 = arith.constant 1 : i32
      %get3A_415 = arith.index_cast %get3A_414 : i32 to index
      %get3A_416 = arith.index_cast %add3A_350 : i32 to index
      %get3A_417 = arith.constant 80 : index
      %get3A_418 = tpu.vector_load %arg9[%get3A_415, %get3A_416, %get3A_417] {strides = array<i32>} : memref<2x128x128xf32, #tpu.memory_space<vmem>>, vector<1x1x16xf32>,
      %get3A_419 = vector.shape_cast %get3A_418 : vector<1x1x16xf32> to vector<16xf32>
      %swap3A_420 = arith.constant 1 : i32
      %swap3A_421 = arith.index_cast %swap3A_420 : i32 to index
      %swap3A_422 = arith.index_cast %add3A_350 : i32 to index
      %swap3A_423 = arith.constant 80 : index
      %swap3A_424 = tpu.vector_load %arg8[%swap3A_421, %swap3A_422, %swap3A_423] {strides = array<i32>} : memref<2x128x128xf32, #tpu.memory_space<vmem>>, vector<1x1x16xf32>,
      %swap3A_425 = vector.shape_cast %swap3A_424 : vector<1x1x16xf32> to vector<16xf32>
      %swap3A_426 = vector.shape_cast %get3A_419 : vector<16xf32> to vector<1x1x16xf32>
      tpu.vector_store %arg8[%swap3A_421, %swap3A_422, %swap3A_423], %swap3A_426 {add = true, strides = array<i32>} : memref<2x128x128xf32, #tpu.memory_space<vmem>>, vector<1x1x16xf32>,
      %get3A_427 = arith.constant 1 : i32
      %get3A_428 = arith.index_cast %get3A_427 : i32 to index
      %get3A_429 = arith.index_cast %add3A_350 : i32 to index
      %get3A_430 = arith.constant 96 : index
      %get3A_431 = tpu.vector_load %arg9[%get3A_428, %get3A_429, %get3A_430] {strides = array<i32>} : memref<2x128x128xf32, #tpu.memory_space<vmem>>, vector<1x1x16xf32>,
      %get3A_432 = vector.shape_cast %get3A_431 : vector<1x1x16xf32> to vector<16xf32>
      %swap3A_433 = arith.constant 1 : i32
      %swap3A_434 = arith.index_cast %swap3A_433 : i32 to index
      %swap3A_435 = arith.index_cast %add3A_350 : i32 to index
      %swap3A_436 = arith.constant 96 : index
      %swap3A_437 = tpu.vector_load %arg8[%swap3A_434, %swap3A_435, %swap3A_436] {strides = array<i32>} : memref<2x128x128xf32, #tpu.memory_space<vmem>>, vector<1x1x16xf32>,
      %swap3A_438 = vector.shape_cast %swap3A_437 : vector<1x1x16xf32> to vector<16xf32>
      %swap3A_439 = vector.shape_cast %get3A_432 : vector<16xf32> to vector<1x1x16xf32>
      tpu.vector_store %arg8[%swap3A_434, %swap3A_435, %swap3A_436], %swap3A_439 {add = true, strides = array<i32>} : memref<2x128x128xf32, #tpu.memory_space<vmem>>, vector<1x1x16xf32>,
      %get3A_440 = arith.constant 1 : i32
      %get3A_441 = arith.index_cast %get3A_440 : i32 to index
      %get3A_442 = arith.index_cast %add3A_350 : i32 to index
      %get3A_443 = arith.constant 112 : index
      %get3A_444 = tpu.vector_load %arg9[%get3A_441, %get3A_442, %get3A_443] {strides = array<i32>} : memref<2x128x128xf32, #tpu.memory_space<vmem>>, vector<1x1x16xf32>,
      %get3A_445 = vector.shape_cast %get3A_444 : vector<1x1x16xf32> to vector<16xf32>
      %swap3A_446 = arith.constant 1 : i32
      %swap3A_447 = arith.index_cast %swap3A_446 : i32 to index
      %swap3A_448 = arith.index_cast %add3A_350 : i32 to index
      %swap3A_449 = arith.constant 112 : index
      %swap3A_450 = tpu.vector_load %arg8[%swap3A_447, %swap3A_448, %swap3A_449] {strides = array<i32>} : memref<2x128x128xf32, #tpu.memory_space<vmem>>, vector<1x1x16xf32>,
      %swap3A_451 = vector.shape_cast %swap3A_450 : vector<1x1x16xf32> to vector<16xf32>
      %swap3A_452 = vector.shape_cast %get3A_445 : vector<16xf32> to vector<1x1x16xf32>
      tpu.vector_store %arg8[%swap3A_447, %swap3A_448, %swap3A_449], %swap3A_452 {add = true, strides = array<i32>} : memref<2x128x128xf32, #tpu.memory_space<vmem>>, vector<1x1x16xf32>,
    }
    %scan3A_298 = arith.constant 128 : i32
    %add3A_299 = arith.constant 3 : i32
    %add3A_300 = arith.addi %mul3A_2, %add3A_299 : i32
    %mul3A_301 = arith.constant 128 : i32
    %mul3A_302 = arith.muli %add3A_300, %mul3A_301 : i32
    %add3A_303 = arith.constant 0 : i32
    %add3A_304 = arith.addi %mul3A_302, %add3A_303 : i32
    %dma_start3A_305 = arith.constant 1 : i32
    %dma_start3A_306 = arith.constant 0 : i32
    %dma_start3A_307 = arith.constant 0 : i32
    %dma_start3A_308 = tpu.memref_slice %arg8[%dma_start3A_305, %dma_start3A_306, %dma_start3A_307] : memref<2x128x128xf32, #tpu.memory_space<vmem>> -> memref<1x128x128xf32, #tpu.memory_space<vmem>>
    %dma_start3A_309 = tpu.memref_squeeze %dma_start3A_308 : memref<1x128x128xf32, #tpu.memory_space<vmem>> -> memref<128x128xf32, #tpu.memory_space<vmem>>
    %dma_start3A_310 = arith.constant 0 : i32
    %dma_start3A_311 = tpu.memref_slice %arg5[%add3A_304, %dma_start3A_310] : memref<16384x128xf32, #tpu.memory_space<hbm>> -> memref<128x128xf32, #tpu.memory_space<hbm>>
    %dma_start3A_312 = arith.constant 0 : i32
    %dma_start3A_313 = tpu.memref_slice %arg5[%add3A_304, %dma_start3A_312] : memref<16384x128xf32, #tpu.memory_space<hbm>> -> memref<128x128xf32, #tpu.memory_space<hbm>>
    %dma_start3A_314 = arith.constant 0 : i32
    %dma_start3A_315 = arith.constant 0 : i32
    %dma_start3A_316 = tpu.memref_slice %arg8[%dma_start3A_305, %dma_start3A_314, %dma_start3A_315] : memref<2x128x128xf32, #tpu.memory_space<vmem>> -> memref<1x128x128xf32, #tpu.memory_space<vmem>>
    %dma_start3A_317 = tpu.memref_squeeze %dma_start3A_316 : memref<1x128x128xf32, #tpu.memory_space<vmem>> -> memref<128x128xf32, #tpu.memory_space<vmem>>
    tpu.enqueue_dma source(%dma_start3A_317 : memref<128x128xf32, #tpu.memory_space<vmem>>) target(%dma_start3A_313 : memref<128x128xf32, #tpu.memory_space<hbm>>) target_semaphore(%arg13 : memref<!tpu.dma_semaphore, #tpu.memory_space<semaphore_mem>>)
    %dma_wait3A_318 = arith.constant 0 : i32
    %dma_wait3A_319 = arith.constant 0 : i32
    %dma_wait3A_320 = arith.constant 0 : i32
    %dma_wait3A_321 = tpu.memref_slice %arg8[%dma_wait3A_318, %dma_wait3A_319, %dma_wait3A_320] : memref<2x128x128xf32, #tpu.memory_space<vmem>> -> memref<1x128x128xf32, #tpu.memory_space<vmem>>
    %dma_wait3A_322 = tpu.memref_squeeze %dma_wait3A_321 : memref<1x128x128xf32, #tpu.memory_space<vmem>> -> memref<128x128xf32, #tpu.memory_space<vmem>>
    %dma_wait3A_323 = arith.constant 0 : i32
    %dma_wait3A_324 = tpu.memref_slice %arg5[%add3A_255, %dma_wait3A_323] : memref<16384x128xf32, #tpu.memory_space<hbm>> -> memref<128x128xf32, #tpu.memory_space<hbm>>
    %dma_wait3A_325 = arith.constant 0 : i32
    %dma_wait3A_326 = tpu.memref_slice %arg5[%add3A_255, %dma_wait3A_325] : memref<16384x128xf32, #tpu.memory_space<hbm>> -> memref<128x128xf32, #tpu.memory_space<hbm>>
    %dma_wait3A_327 = arith.constant 0 : i32
    %dma_wait3A_328 = arith.constant 0 : i32
    %dma_wait3A_329 = tpu.memref_slice %arg8[%dma_wait3A_318, %dma_wait3A_327, %dma_wait3A_328] : memref<2x128x128xf32, #tpu.memory_space<vmem>> -> memref<1x128x128xf32, #tpu.memory_space<vmem>>
    %dma_wait3A_330 = tpu.memref_squeeze %dma_wait3A_329 : memref<1x128x128xf32, #tpu.memory_space<vmem>> -> memref<128x128xf32, #tpu.memory_space<vmem>>
    tpu.wait_dma2 semaphore(%arg12 : memref<!tpu.dma_semaphore, #tpu.memory_space<semaphore_mem>>) src(%dma_wait3A_330 : memref<128x128xf32, #tpu.memory_space<vmem>>) dst(%dma_wait3A_326 : memref<128x128xf32, #tpu.memory_space<hbm>>)
    %dma_wait3A_331 = arith.constant 1 : i32
    %dma_wait3A_332 = arith.constant 0 : i32
    %dma_wait3A_333 = arith.constant 0 : i32
    %dma_wait3A_334 = tpu.memref_slice %arg8[%dma_wait3A_331, %dma_wait3A_332, %dma_wait3A_333] : memref<2x128x128xf32, #tpu.memory_space<vmem>> -> memref<1x128x128xf32, #tpu.memory_space<vmem>>
    %dma_wait3A_335 = tpu.memref_squeeze %dma_wait3A_334 : memref<1x128x128xf32, #tpu.memory_space<vmem>> -> memref<128x128xf32, #tpu.memory_space<vmem>>
    %dma_wait3A_336 = arith.constant 0 : i32
    %dma_wait3A_337 = tpu.memref_slice %arg5[%add3A_304, %dma_wait3A_336] : memref<16384x128xf32, #tpu.memory_space<hbm>> -> memref<128x128xf32, #tpu.memory_space<hbm>>
    %dma_wait3A_338 = arith.constant 0 : i32
    %dma_wait3A_339 = tpu.memref_slice %arg5[%add3A_304, %dma_wait3A_338] : memref<16384x128xf32, #tpu.memory_space<hbm>> -> memref<128x128xf32, #tpu.memory_space<hbm>>
    %dma_wait3A_340 = arith.constant 0 : i32
    %dma_wait3A_341 = arith.constant 0 : i32
    %dma_wait3A_342 = tpu.memref_slice %arg8[%dma_wait3A_331, %dma_wait3A_340, %dma_wait3A_341] : memref<2x128x128xf32, #tpu.memory_space<vmem>> -> memref<1x128x128xf32, #tpu.memory_space<vmem>>
    %dma_wait3A_343 = tpu.memref_squeeze %dma_wait3A_342 : memref<1x128x128xf32, #tpu.memory_space<vmem>> -> memref<128x128xf32, #tpu.memory_space<vmem>>
    tpu.wait_dma2 semaphore(%arg13 : memref<!tpu.dma_semaphore, #tpu.memory_space<semaphore_mem>>) src(%dma_wait3A_343 : memref<128x128xf32, #tpu.memory_space<vmem>>) dst(%dma_wait3A_339 : memref<128x128xf32, #tpu.memory_space<hbm>>)
    return
  }
}

</mosaic_0001>

<sc_bundles>
// kernel: _lookup.3.cloned.1.call-start
scs
__scs_entry_jumppad:
0x0: {  	(pc) =	sbr.rel $0x88, $3  }
0x1: {  	(tag) =	ssettag $0x0;
	lr =	simm.s32 $0x1  }
0x2: {  	[smem:$0x3F9E] =	sst lr;
	_ =	strace $0xD0000000  }
0x3: {  	_ = 	snop  }
0x4: {  	_ = 	snop  }
0x5: {  	_ = 	snop  }
0x6: {  	_ = 	snop  }
0x7: {  	_ = 	snop  }
__scs_overlays_trampoline_lowered:
0x8: {  	[smem:$0x3FAD] =	sst s0  }
0x9: {  	[smem:$0x3FAE] =	sst s1  }
0xa: {  	[smem:$0x3FAF] =	sst s2  }
0xb: {  	[smem:$0x3FB0] =	sst s3  }
0xc: {  	[smem:$0x3FB1] =	sst s4  }
0xd: {  	[smem:$0x3FB2] =	sst s5  }
0xe: {  	[smem:$0x3FB3] =	sst s6  }
0xf: {  	[smem:$0x3FB4] =	sst s7  }
0x10: {  	[smem:$0x3FB5] =	sst s8  }
0x11: {  	[smem:$0x3FB6] =	sst s9;
	s0 =	simm.s32 @!p0 $0x0  }
0x12: {  	s1 =	sld [smem:$0x3F9C];
	s0 =	simm.s32 @p0 $0x1  }
0x13: {  	[smem:$0x3FB7] =	sst s0;
	s0 =	simm.s32 @!p1 $0x0  }
0x14: {  	s2 =	sld [smem:$0x3F9B];
	s0 =	simm.s32 @p1 $0x1  }
0x15: {  	[smem:$0x3FB8] =	sst s0;
	s0 =	simm.s32 @!p2 $0x0  }
0x16: {  	s3 =	sld [smem:$0x3FDB];
	s0 =	simm.s32 @p2 $0x1  }
0x17: {  	s4 =	simm.s32 $0x1BF5;
	[smem:$0x3FBA] =	sst s0  }
0x18: {  	s0 =	sld [smem:$0x3F9D];
	_ =	swait.ge [sflag:s4], $0x0  }
0x19: {  	s7 =	sld [smem:$0x3F9E]  }
0x1a: {  	s8 =	sadd.s32 $0xFFFFE003, lr  }
0x1b: {  	s9 =	sadd.s32 $0xFFFFFEF7, lr;
	s5 =	simm.s32 $0xFFFFFFFF;
	p2 =	slt.u32 s8, $0xFFFFF086  }
0x1c: {  	p1 =	slt.u32 s9, $0xF7A;
	s5 =	simm.s32 @!p2 $0x0  }
0x1d: {  	s5 =	simm.s32 @p1 $0x1;
	p0 =	seq.s32 s7, s2  }
0x1e: {  	s7 =	smul.u32 @!p0 $0xF7A, s2;
	p2 =	seq.s32 @!p0 s5, $0x0  }
0x1f: {  	s9 =	smul.u32 $0xF7A, s1;
	s8 =	simm.s32 @!p0 $0x1BF5;
	p2 =	por !p2, p0  }
0x20: {  	[sflag:s8] =	ssyncset.s32 @!p0 $0xFFFFF086;
	s6 =	sadd.s32 @!p0 s3, s7;
	s7 =	simm.s32 @!p0 $0x108  }
0x21: {  	s3 =	sadd.s32 s3, s9;
	s6 =	sadd.s32 @!p0 $0x88, s6;
	s7 =	simm.s32 @p2 $0x1082  }
0x22: {  	[simem:s7], [sflag:s8] =	dma.local @!p0 [hbm:s6], $0xF7A  }
0x23: {  	s9 =	sor.u32 $0xD0000000, s2;
	s6 =	simm.s32 $0x108;
	_ =	swait.ge @!p0 [sflag:s8], $0x0  }
0x24: {  	s3 =	sadd.s32 $0x88, s3;
	s6 =	simm.s32 @!p1 $0x1082;
	[sflag:s4] =	ssyncset.s32 $0xFFFFF086  }
0x25: {  	[simem:s6], [sflag:s4] =	dma.local [hbm:s3], $0xF7A  }
0x26: {  	[smem:$0x3F9E] =	sst s1;
	(tag) =	ssettag s2;
	_ =	strace s9  }
0x27: {  	s1 =	sld [smem:$0x3FAE]  }
0x28: {  	s2 =	sld [smem:$0x3FAF]  }
0x29: {  	s4 =	sld [smem:$0x3FB1]  }
0x2a: {  	p0 =	seq.s32 s5, $0x0;
	s5 =	sld [smem:$0x3FB2]  }
0x2b: {  	s6 =	sld [smem:$0x3FB3]  }
0x2c: {  	s7 =	sld [smem:$0x3FB4]  }
0x2d: {  	s3 =	simm.s32 $0x108;
	s8 =	sld [smem:$0x3FB5]  }
0x2e: {  	s3 =	simm.s32 @!p0 $0x1082;
	s9 =	sld [smem:$0x3FB6]  }
0x2f: {  	lr =	sadd.s32 s0, s3;
	s0 =	sld [smem:$0x3FAD]  }
0x30: {  	s3 =	sld [smem:$0x3FB0]  }
0x31: {  	[smem:$0x3FB9] =	sst s10  }
0x32: {  	s10 =	sld [smem:$0x3FB7];
	_ =	sdelay $0x3  }
0x33: {  	p0 =	seq.s32 s10, $0x1;
	s10 =	sld [smem:$0x3FB9];
	_ =	sdelay $0x3  }
0x34: {  	[smem:$0x3FB9] =	sst s10  }
0x35: {  	s10 =	sld [smem:$0x3FB8];
	_ =	sdelay $0x3  }
0x36: {  	p1 =	seq.s32 s10, $0x1;
	s10 =	sld [smem:$0x3FB9];
	_ =	sdelay $0x3  }
0x37: {  	[smem:$0x3FB9] =	sst s10  }
0x38: {  	s10 =	sld [smem:$0x3FBA]  }
0x39: {  	_ = 	snop;
	(pc) =	sbr.ind lr, $3  }
0x3a: {  	_ = 	snop  }
0x3b: {  	_ = 	snop  }
0x3c: {  	p2 =	seq.s32 s10, $0x1;
	s10 =	sld [smem:$0x3FB9]  }
0x3d: {  	_ =	shalt  }
0x3e: {  	_ =	shalt  }
0x3f: {  	_ =	shalt  }
0x40: {  	_ =	shalt  }
0x41: {  	_ =	shalt  }
0x42: {  	_ =	shalt  }
0x43: {  	_ =	shalt  }
0x44: {  	_ =	shalt  }
0x45: {  	_ =	shalt  }
0x46: {  	_ =	shalt  }
0x47: {  	_ =	shalt  }
0x48: {  	_ =	shalt  }
0x49: {  	_ =	shalt  }
0x4a: {  	_ =	shalt  }
0x4b: {  	_ =	shalt  }
0x4c: {  	_ =	shalt  }
0x4d: {  	_ =	shalt  }
0x4e: {  	_ =	shalt  }
0x4f: {  	_ =	shalt  }
0x50: {  	_ =	shalt  }
0x51: {  	_ =	shalt  }
0x52: {  	_ =	shalt  }
0x53: {  	_ =	shalt  }
0x54: {  	_ =	shalt  }
0x55: {  	_ =	shalt  }
0x56: {  	_ =	shalt  }
0x57: {  	_ =	shalt  }
0x58: {  	_ =	shalt  }
0x59: {  	_ =	shalt  }
0x5a: {  	_ =	shalt  }
0x5b: {  	_ =	shalt  }
0x5c: {  	_ =	shalt  }
0x5d: {  	_ =	shalt  }
0x5e: {  	_ =	shalt  }
0x5f: {  	_ =	shalt  }
0x60: {  	_ =	shalt  }
0x61: {  	_ =	shalt  }
0x62: {  	_ =	shalt  }
0x63: {  	_ =	shalt  }
0x64: {  	_ =	shalt  }
0x65: {  	_ =	shalt  }
0x66: {  	_ =	shalt  }
0x67: {  	_ =	shalt  }
0x68: {  	_ =	shalt  }
0x69: {  	_ =	shalt  }
0x6a: {  	_ =	shalt  }
0x6b: {  	_ =	shalt  }
0x6c: {  	_ =	shalt  }
0x6d: {  	_ =	shalt  }
0x6e: {  	_ =	shalt  }
0x6f: {  	_ =	shalt  }
0x70: {  	_ =	shalt  }
0x71: {  	_ =	shalt  }
0x72: {  	_ =	shalt  }
0x73: {  	_ =	shalt  }
0x74: {  	_ =	shalt  }
0x75: {  	_ =	shalt  }
0x76: {  	_ =	shalt  }
0x77: {  	_ =	shalt  }
0x78: {  	_ =	shalt  }
0x79: {  	_ =	shalt  }
0x7a: {  	_ =	shalt  }
0x7b: {  	_ =	shalt  }
0x7c: {  	_ =	shalt  }
0x7d: {  	_ =	shalt  }
0x7e: {  	_ =	shalt  }
0x7f: {  	_ =	shalt  }
0x80: {  	_ =	shalt  }
0x81: {  	_ =	shalt  }
0x82: {  	_ =	shalt  }
0x83: {  	_ =	shalt  }
0x84: {  	_ =	shalt  }
0x85: {  	_ =	shalt  }
0x86: {  	_ =	shalt  }
0x87: {  	_ =	shalt  }
.Lfunc_end0:
.L_simem_size_0:
called_computation_lowered:
.L_overlay_start_0:
0x88: {  	s2 =	sld [smem:$0x3FD9]  }
0x89: {  	s3 =	sld [smem:$0x3FFE];
	_ =	sdelay $0x1  }
0x8a: {  	s1 =	srdreg.scid  }
0x8b: {  	s0 =	sand.u32 $0x1, s1  }
0x8c: {  	s18 =	sshll.u32 s0, $0xA;
	s2 =	sadd.s32 s3, s2  }
0x8d: {  	s2 =	sadd.s32 s2, s18  }
0x8e: {  	[smem:$0x3FC5] =	sst s2  }
0x8f: {  	_ = 	snop  }
0x90: {  	s2 =	sld [smem:$0x3FC9]  }
0x91: {  	s19 =	sld [smem:$0x3FC8]  }
0x92: {  	s4 =	sld [smem:$0x3FC7]  }
0x93: {  	s5 =	sld [smem:$0x3FD0];
	(tm) =	ssettm $0x1  }
0x94: {  	s6 =	sld [smem:$0x3FFB];
	_ =	sdelay $0x3  }
0x95: {  	_ =	strace s6  }
0x96: {  	s6 =	sld [smem:$0x3FFC];
	_ =	sdelay $0x3  }
0x97: {  	_ =	strace s6  }
0x98: {  	s6 =	sld [smem:$0x3FFD];
	_ =	sdelay $0x3  }
0x99: {  	_ =	strace s6  }
0x9a: {  	_ =	strace $0x8FFFFFFF  }
0x9b: {  	s20 =	sld [smem:$0x3FDB];
	_ =	sdelay $0x1  }
0x9c: {  	s7 =	simm.s32 $_scs_section_size  }
0x9d: {  	s8 =	simm.s32 $_size__tile_overlayer_lowered;
	s9 =	simm.s32 $_tile_overlayer_lowered  }
0x9e: {  	s23 =	simm.s32 $0x1BFF;
	s22 =	sshll.u32 s9, $0x1;
	s6 =	sadd.s32 s7, s20  }
0x9f: {  	s10 =	simm.s32 $0x0;
	s21 =	sshll.u32 s8, $0x1;
	s8 =	sadd.s32 s22, s6  }
0xa0: {  	[timem:s10], [sflag:s23] =	dma.local [hbm:s8], s21  }
0xa1: {  	_ =	swait.ge [sflag:s23], s21  }
0xa2: {  	s7 =	ssub.s32 $0x0, s21;
	[sflag:s23] =	ssyncset.done $0x0  }
0xa3: {  	[sflag:s23] =	ssyncadd.s32 s7;
	_ =	sdelay $0x1  }
0xa4: {  	s24 =	simm.s32 $0x1B8B  }
0xa5: {  	_ =	swait.ge [sflag:s24], $0x1  }
0xa6: {  	[sflag:s24] =	ssyncset.done $0x0  }
0xa7: {  	s25 =	simm.s32 $0x1B8E;
	[sflag:s24] =	ssyncadd.s32 $0xFFFFFFFF  }
0xa8: {  	s26 =	simm.s32 $execute0_lowered;
	[smem:$0x3FD2] =	sst s25  }
0xa9: {  	s7 =	sshll.u32 s26, $0x1;
	_ =	strace $0x80000046;
	[dreg:$0x1] =	wrdreg $0xFFFFFFFF  }
0xaa: {  	s28 =	simm.s32 $_size_execute0_lowered;
	s6 =	sadd.s32 s6, s7;
	[dreg:$0x0] =	wrdreg $0x0  }
0xab: {  	s7 =	sshll.u32 s28, $0x1;
	[dreg:$0x2] =	wrdreg s6  }
0xac: {  	[dreg:$0x3] =	wrdreg s7  }
0xad: {  	[dreg:$0x4] =	wrdreg $0xC0  }
0xae: {  	_ =	task [dreg:s10], $0x5FFFF  }
0xaf: {  	[dreg:$0x1] =	wrdreg $0xFFFFFFFF  }
0xb0: {  	[dreg:$0x0] =	wrdreg $0x60  }
0xb1: {  	[dreg:$0x2] =	wrdreg s2  }
0xb2: {  	[dreg:$0x3] =	wrdreg s19  }
0xb3: {  	[dreg:$0x4] =	wrdreg s4  }
0xb4: {  	[dreg:$0x5] =	wrdreg s5  }
0xb5: {  	[dreg:$0x6] =	wrdreg $0x9  }
0xb6: {  	_ =	task.clear_ibuf [dreg:s10], $0x7FFFF;
	_ =	strace $0x90000046  }
0xb7: {  	s29 =	simm.s32 $0x9;
	_ =	strace $0x80000048  }
0xb8: {  	_ =	swait.ge [sflag:s29], $0x1  }
0xb9: {  	[sflag:s29] =	ssyncadd.s32 $0xFFFFFFFF  }
0xba: {  	_ =	strace $0x90000048  }
0xbb: {  	_ =	sfence  }
0xbc: {  	s30 =	sld [smem:$0x0];
	_ =	sdelay $0x2  }
0xbd: {  	s31 =	sshll.u32 s1, $0xD;
	s1 =	sshrl.u32 s1, $0x2  }
0xbe: {  	s3 =	sand.u32 $0x4000, s31;
	s1 =	sadd.s32 s1, s30  }
0xbf: {  	s0 =	sor.u32 s3, s0;
	s1 =	sshll.u32 s1, $0x11  }
0xc0: {  	s0 =	sor.u32 s1, s0  }
0xc1: {  	s0 =	sadd.s32 $0x8F2B, s0  }
0xc2: {  	[sflag:s0] =	ssyncadd.remote.s32 $0x1  }
0xc3: {  	_ =	sfence.sel $0xFFFF  }
0xc4: {  	[dreg:$0x0] =	wrdreg $0xFFFFFFFF;
	(pc) =	sbr.abs _section_cstart, $3  }
0xc5: {  	[dreg:$0x1] =	wrdreg $0xFFFFFFFF  }
0xc6: {  	_ =	task.clear_ibuf [dreg:s10], $0x2FFFF;
	_ =	strace $0x9FFFFFFF  }
0xc7: {  	(tm) =	ssettm $0x7FFFFFFF  }
tec
execute0_lowered:
.L_overlay_start_1:
0x0: {  	(tag) =	ssettag $0x1  }
0x1: {  	s4 =	rddreg [dreg:$0x0]  }
0x2: {  	s5 =	rddreg [dreg:$0x1]  }
0x3: {  	s1 =	rddreg [dreg:$0x2]  }
0x4: {  	s6 =	rddreg [dreg:$0x3];
	s2 =	srdreg.scid  }
0x5: {  	s0 =	rddreg [dreg:$0x4];
	s3 =	simm.s32 $0x0;
	s14 =	simm.s32 $0x400  }
0x6: {  	s15 =	simm.s32 $0x8400;
	s16 =	simm.s32 $0x4400;
	s17 =	simm.s32 $0x280  }
0x7: {  	s18 =	simm.s32 $0xC400;
	s19 =	simm.s32 $0x1;
	s20 =	simm.s32 $0x3  }
0x8: {  	s21 =	simm.s32 $0x100;
	s22 =	simm.s32 $0x300;
	s23 =	simm.s32 $0x2  }
0x9: {  	s24 =	simm.s32 $0x4;
	s25 =	simm.s32 $0x180;
	s26 =	simm.s32 $0x380  }
0xa: {  	s28 =	simm.s32 $0x0;
	s7 =	sand.u32 $0x1, s2;
	[smem:$0x7FF] =	sst s3  }
0xb: {  	s2 =	stileid.u32;
	s8 =	ssub.s32 $0x2, s7;
	_ =	strace $0x80000047  }
0xc: {  	s10 =	sshll.u32 s2, $0x7;
	s11 =	sshll.u32 s7, $0x6;
	s12 =	sshll.u32 s2, $0xE  }
0xd: {  	s7 =	sshll.u32 s7, $0xD;
	s9 =	sshrl.u32 s8, $0x1;
	s31 =	sor.u32 s11, s10  }
0xe: {  	s7 =	sor.u32 s7, s12;
	s11 =	simm.s32 $0x5;
	s12 =	simm.s32 $0x200  }
0xf: {  	s13 =	ssub.s32 s8, s9;
	s4 =	sadd.s32 s4, s31;
	s6 =	sadd.s32 s6, s7  }
0x10: {  	s5 =	sadd.s32 s5, s31;
	s7 =	sadd.s32 $0x800, s6;
	s8 =	sadd.s32 $0x1000, s6  }
0x11: {  	s9 =	sadd.s32 $0x1800, s6;
	s10 =	smax.u32 s13, $0x1;
	s13 =	simm.s32 $0x80  }
.LBB2_1:
0x12: {  	[tilespmem:s3], [sflag:$0x5] =	stream.linear.gather [hbm4b:s4+s3], $0x200, $0x38;
	[tilespmem:$0x10400] =	vst v63  }
0x13: {  	_ =	swait.ge [sflag:s11], $0x200  }
0x14: {  	[sflag:s11] =	ssyncset.done $0x0  }
0x15: {  	[sflag:s11] =	ssyncadd.s32 $0xFFFFFE00  }
0x16: {  	[tilespmem:s12], [sflag:$0x5] =	stream.linear.gather [hbm4b:s5+s3], $0x200, $0x38;
	[tilespmem:$0x10400] =	vst v63  }
0x17: {  	_ =	swait.ge [sflag:s11], $0x200  }
0x18: {  	[sflag:s11] =	ssyncset.done $0x0  }
0x19: {  	[sflag:s11] =	ssyncadd.s32 $0xFFFFFE00  }
0x1a: {  	[tilespmem:s14], [sflag:$0x1] =	stream.indirect.gather [hbm4b:s1+s13], $0x80, s3, s13, $0xb8;
	[tilespmem:$0x10400] =	vst v63  }
0x1b: {  	_ = 	snop  }
0x1c: {  	[tilespmem:s15], [sflag:$0x1] =	stream.indirect.gather [hbm4b:s1+s13], $0x80, s12, s13, $0xb8;
	[tilespmem:$0x10400] =	vst v63  }
0x1d: {  	_ = 	snop  }
0x1e: {  	[tilespmem:s16], [sflag:$0x2] =	stream.indirect.gather [hbm4b:s1+s13], $0x80, s13, s13, $0xb8;
	[tilespmem:$0x10400] =	vst v63  }
0x1f: {  	_ = 	snop  }
0x20: {  	[tilespmem:s18], [sflag:$0x2] =	stream.indirect.gather [hbm4b:s1+s13], $0x80, s17, s13, $0xb8;
	[tilespmem:$0x10400] =	vst v63  }
0x21: {  	_ =	swait.ge [sflag:s19], $0x4000  }
0x22: {  	[sflag:s19] =	ssyncset.done $0x0  }
0x23: {  	[sflag:s19] =	ssyncadd.s32 $0xFFFFC000  }
0x24: {  	_ =	swait.ge [sflag:s19], $0x4000  }
0x25: {  	[sflag:s19] =	ssyncset.done $0x0  }
0x26: {  	s29 =	simm.s32 $0x0;
	s30 =	simm.s32 $0x200;
	[sflag:s19] =	ssyncadd.s32 $0xFFFFC000  }
.LBB2_2:
0x27: {  	p0 =	sne.s32 s30, $0xFE00;
	v0 =	vld [tilespmem:s29+$0x8470]  }
0x28: {  	v1 =	vld [tilespmem:s29+$0x8400]  }
0x29: {  	v2 =	vld [tilespmem:s29+$0x8410]  }
0x2a: {  	v3 =	vld [tilespmem:s29+$0x8420]  }
0x2b: {  	v4 =	vld [tilespmem:s29+$0x8430]  }
0x2c: {  	[tilespmem:s29+$0x470] =	vst.add.f32.msk $0xffff, v0  }
0x2d: {  	v0 =	vld [tilespmem:s29+$0x8440]  }
0x2e: {  	v5 =	vld [tilespmem:s29+$0x8450]  }
0x2f: {  	v6 =	vld [tilespmem:s29+$0x8460]  }
0x30: {  	[tilespmem:s29+$0x400] =	vst.add.f32.msk $0xffff, v1  }
0x31: {  	[tilespmem:s29+$0x410] =	vst.add.f32.msk $0xffff, v2  }
.Ltmp0:
0x32: {  	[tilespmem:s29+$0x420] =	vst.add.f32.msk $0xffff, v3;
	(pc) =	sbr.rel @p0 .LBB2_2-.Ltmp0, $4  }
0x33: {  	[tilespmem:s29+$0x430] =	vst.add.f32.msk $0xffff, v4  }
0x34: {  	[tilespmem:s29+$0x440] =	vst.add.f32.msk $0xffff, v0  }
0x35: {  	[tilespmem:s29+$0x450] =	vst.add.f32.msk $0xffff, v5  }
0x36: {  	[tilespmem:s29+$0x460] =	vst.add.f32.msk $0xffff, v6;
	s29 =	sshra.s32 s30, $0x2;
	s30 =	sadd.s32 $0x200, s30  }
0x37: {  	v0 =	vld [tilespmem:s29+$0x8470]  }
0x38: {  	v1 =	vld [tilespmem:s29+$0x8400]  }
0x39: {  	v2 =	vld [tilespmem:s29+$0x8410]  }
0x3a: {  	v3 =	vld [tilespmem:s29+$0x8420]  }
0x3b: {  	v4 =	vld [tilespmem:s29+$0x8430]  }
0x3c: {  	v63 =	vld [tilespmem:s29+$0x8440]  }
0x3d: {  	v5 =	vld [tilespmem:s29+$0x8450]  }
0x3e: {  	v6 =	vld [tilespmem:s29+$0x8460]  }
0x3f: {  	[tilespmem:s29+$0x470] =	vst.add.f32.msk $0xffff, v0  }
0x40: {  	[tilespmem:s29+$0x400] =	vst.add.f32.msk $0xffff, v1  }
0x41: {  	[tilespmem:s29+$0x410] =	vst.add.f32.msk $0xffff, v2  }
0x42: {  	[tilespmem:s29+$0x420] =	vst.add.f32.msk $0xffff, v3  }
0x43: {  	[tilespmem:s29+$0x430] =	vst.add.f32.msk $0xffff, v4  }
0x44: {  	[tilespmem:s29+$0x440] =	vst.add.f32.msk $0xffff, v63  }
0x45: {  	[tilespmem:s29+$0x450] =	vst.add.f32.msk $0xffff, v5  }
0x46: {  	[tilespmem:s29+$0x460] =	vst.add.f32.msk $0xffff, v6;
	s29 =	simm.s32 $0x0  }
0x47: {  	[hbm4b:s6+s29] =	stream.linear.scatter [tilespmem:s14], [sflag:$0x3], $0x4000, $0x38;
	[tilespmem:$0x10400] =	vst v63  }
0x48: {  	_ =	swait.ge [sflag:s20], $0x4000  }
0x49: {  	[sflag:s20] =	ssyncset.done $0x0  }
0x4a: {  	[sflag:s20] =	ssyncadd.s32 $0xFFFFC000  }
0x4b: {  	[tilespmem:s14], [sflag:$0x1] =	stream.indirect.gather [hbm4b:s1+s13], $0x80, s21, s13, $0xb8;
	[tilespmem:$0x10400] =	vst v63  }
0x4c: {  	_ = 	snop  }
0x4d: {  	[tilespmem:s15], [sflag:$0x1] =	stream.indirect.gather [hbm4b:s1+s13], $0x80, s22, s13, $0xb8;
	[tilespmem:$0x10400] =	vst v63  }
0x4e: {  	_ =	swait.ge [sflag:s23], $0x4000  }
0x4f: {  	[sflag:s23] =	ssyncset.done $0x0  }
0x50: {  	[sflag:s23] =	ssyncadd.s32 $0xFFFFC000  }
0x51: {  	_ =	swait.ge [sflag:s23], $0x4000  }
0x52: {  	[sflag:s23] =	ssyncset.done $0x0  }
0x53: {  	s30 =	simm.s32 $0x200;
	s29 =	simm.s32 $0x0;
	[sflag:s23] =	ssyncadd.s32 $0xFFFFC000  }
.LBB2_4:
0x54: {  	p0 =	sne.s32 s30, $0xFE00;
	v0 =	vld [tilespmem:s29+$0xC470]  }
0x55: {  	v1 =	vld [tilespmem:s29+$0xC400]  }
0x56: {  	v2 =	vld [tilespmem:s29+$0xC410]  }
0x57: {  	v3 =	vld [tilespmem:s29+$0xC420]  }
0x58: {  	v4 =	vld [tilespmem:s29+$0xC430]  }
0x59: {  	[tilespmem:s29+$0x4470] =	vst.add.f32.msk $0xffff, v0  }
0x5a: {  	v0 =	vld [tilespmem:s29+$0xC440]  }
0x5b: {  	v5 =	vld [tilespmem:s29+$0xC450]  }
0x5c: {  	v6 =	vld [tilespmem:s29+$0xC460]  }
0x5d: {  	[tilespmem:s29+$0x4400] =	vst.add.f32.msk $0xffff, v1  }
0x5e: {  	[tilespmem:s29+$0x4410] =	vst.add.f32.msk $0xffff, v2  }
.Ltmp1:
0x5f: {  	[tilespmem:s29+$0x4420] =	vst.add.f32.msk $0xffff, v3;
	(pc) =	sbr.rel @p0 .LBB2_4-.Ltmp1, $4  }
0x60: {  	[tilespmem:s29+$0x4430] =	vst.add.f32.msk $0xffff, v4  }
0x61: {  	[tilespmem:s29+$0x4440] =	vst.add.f32.msk $0xffff, v0  }
0x62: {  	[tilespmem:s29+$0x4450] =	vst.add.f32.msk $0xffff, v5  }
0x63: {  	[tilespmem:s29+$0x4460] =	vst.add.f32.msk $0xffff, v6;
	s29 =	sshra.s32 s30, $0x2;
	s30 =	sadd.s32 $0x200, s30  }
0x64: {  	v0 =	vld [tilespmem:s29+$0xC470]  }
0x65: {  	v1 =	vld [tilespmem:s29+$0xC400]  }
0x66: {  	v2 =	vld [tilespmem:s29+$0xC410]  }
0x67: {  	v3 =	vld [tilespmem:s29+$0xC420]  }
0x68: {  	v4 =	vld [tilespmem:s29+$0xC430]  }
0x69: {  	v63 =	vld [tilespmem:s29+$0xC440]  }
0x6a: {  	v5 =	vld [tilespmem:s29+$0xC450]  }
0x6b: {  	v6 =	vld [tilespmem:s29+$0xC460]  }
0x6c: {  	[tilespmem:s29+$0x4470] =	vst.add.f32.msk $0xffff, v0  }
0x6d: {  	[tilespmem:s29+$0x4400] =	vst.add.f32.msk $0xffff, v1  }
0x6e: {  	[tilespmem:s29+$0x4410] =	vst.add.f32.msk $0xffff, v2  }
0x6f: {  	[tilespmem:s29+$0x4420] =	vst.add.f32.msk $0xffff, v3  }
0x70: {  	[tilespmem:s29+$0x4430] =	vst.add.f32.msk $0xffff, v4  }
0x71: {  	[tilespmem:s29+$0x4440] =	vst.add.f32.msk $0xffff, v63  }
0x72: {  	[tilespmem:s29+$0x4450] =	vst.add.f32.msk $0xffff, v5  }
0x73: {  	[tilespmem:s29+$0x4460] =	vst.add.f32.msk $0xffff, v6;
	s29 =	simm.s32 $0x0  }
0x74: {  	[hbm4b:s7+s29] =	stream.linear.scatter [tilespmem:s16], [sflag:$0x4], $0x4000, $0x38;
	[tilespmem:$0x10400] =	vst v63  }
0x75: {  	_ =	swait.ge [sflag:s24], $0x4000  }
0x76: {  	[sflag:s24] =	ssyncset.done $0x0  }
0x77: {  	[sflag:s24] =	ssyncadd.s32 $0xFFFFC000  }
0x78: {  	[tilespmem:s16], [sflag:$0x2] =	stream.indirect.gather [hbm4b:s1+s13], $0x80, s25, s13, $0xb8;
	[tilespmem:$0x10400] =	vst v63  }
0x79: {  	_ = 	snop  }
0x7a: {  	[tilespmem:s18], [sflag:$0x2] =	stream.indirect.gather [hbm4b:s1+s13], $0x80, s26, s13, $0xb8;
	[tilespmem:$0x10400] =	vst v63  }
0x7b: {  	_ =	swait.ge [sflag:s19], $0x4000  }
0x7c: {  	[sflag:s19] =	ssyncset.done $0x0  }
0x7d: {  	[sflag:s19] =	ssyncadd.s32 $0xFFFFC000  }
0x7e: {  	_ =	swait.ge [sflag:s19], $0x4000  }
0x7f: {  	[sflag:s19] =	ssyncset.done $0x0  }
0x80: {  	s30 =	simm.s32 $0x200;
	s29 =	simm.s32 $0x0;
	[sflag:s19] =	ssyncadd.s32 $0xFFFFC000  }
.LBB2_6:
0x81: {  	p0 =	sne.s32 s30, $0xFE00;
	v0 =	vld [tilespmem:s29+$0x8470]  }
0x82: {  	v1 =	vld [tilespmem:s29+$0x8400]  }
0x83: {  	v2 =	vld [tilespmem:s29+$0x8410]  }
0x84: {  	v3 =	vld [tilespmem:s29+$0x8420]  }
0x85: {  	v4 =	vld [tilespmem:s29+$0x8430]  }
0x86: {  	[tilespmem:s29+$0x470] =	vst.add.f32.msk $0xffff, v0  }
0x87: {  	v0 =	vld [tilespmem:s29+$0x8440]  }
0x88: {  	v5 =	vld [tilespmem:s29+$0x8450]  }
0x89: {  	v6 =	vld [tilespmem:s29+$0x8460]  }
0x8a: {  	[tilespmem:s29+$0x400] =	vst.add.f32.msk $0xffff, v1  }
0x8b: {  	[tilespmem:s29+$0x410] =	vst.add.f32.msk $0xffff, v2  }
.Ltmp2:
0x8c: {  	[tilespmem:s29+$0x420] =	vst.add.f32.msk $0xffff, v3;
	(pc) =	sbr.rel @p0 .LBB2_6-.Ltmp2, $4  }
0x8d: {  	[tilespmem:s29+$0x430] =	vst.add.f32.msk $0xffff, v4  }
0x8e: {  	[tilespmem:s29+$0x440] =	vst.add.f32.msk $0xffff, v0  }
0x8f: {  	[tilespmem:s29+$0x450] =	vst.add.f32.msk $0xffff, v5  }
0x90: {  	[tilespmem:s29+$0x460] =	vst.add.f32.msk $0xffff, v6;
	s29 =	sshra.s32 s30, $0x2;
	s30 =	sadd.s32 $0x200, s30  }
0x91: {  	v0 =	vld [tilespmem:s29+$0x8470]  }
0x92: {  	v1 =	vld [tilespmem:s29+$0x8400]  }
0x93: {  	v2 =	vld [tilespmem:s29+$0x8410]  }
0x94: {  	v3 =	vld [tilespmem:s29+$0x8420]  }
0x95: {  	v4 =	vld [tilespmem:s29+$0x8430]  }
0x96: {  	v63 =	vld [tilespmem:s29+$0x8440]  }
0x97: {  	v5 =	vld [tilespmem:s29+$0x8450]  }
0x98: {  	v6 =	vld [tilespmem:s29+$0x8460]  }
0x99: {  	[tilespmem:s29+$0x470] =	vst.add.f32.msk $0xffff, v0  }
0x9a: {  	[tilespmem:s29+$0x400] =	vst.add.f32.msk $0xffff, v1  }
0x9b: {  	[tilespmem:s29+$0x410] =	vst.add.f32.msk $0xffff, v2  }
0x9c: {  	[tilespmem:s29+$0x420] =	vst.add.f32.msk $0xffff, v3  }
0x9d: {  	[tilespmem:s29+$0x430] =	vst.add.f32.msk $0xffff, v4  }
0x9e: {  	[tilespmem:s29+$0x440] =	vst.add.f32.msk $0xffff, v63  }
0x9f: {  	[tilespmem:s29+$0x450] =	vst.add.f32.msk $0xffff, v5  }
0xa0: {  	[tilespmem:s29+$0x460] =	vst.add.f32.msk $0xffff, v6;
	s29 =	simm.s32 $0x0  }
0xa1: {  	[hbm4b:s8+s29] =	stream.linear.scatter [tilespmem:s14], [sflag:$0x3], $0x4000, $0x38;
	[tilespmem:$0x10400] =	vst v63  }
0xa2: {  	_ =	swait.ge [sflag:s23], $0x4000  }
0xa3: {  	[sflag:s23] =	ssyncset.done $0x0  }
0xa4: {  	[sflag:s23] =	ssyncadd.s32 $0xFFFFC000  }
0xa5: {  	_ =	swait.ge [sflag:s23], $0x4000  }
0xa6: {  	[sflag:s23] =	ssyncset.done $0x0  }
0xa7: {  	s30 =	simm.s32 $0x200;
	s29 =	simm.s32 $0x0;
	[sflag:s23] =	ssyncadd.s32 $0xFFFFC000  }
.LBB2_8:
0xa8: {  	p0 =	sne.s32 s30, $0xFE00;
	v0 =	vld [tilespmem:s29+$0xC470]  }
0xa9: {  	v1 =	vld [tilespmem:s29+$0xC400]  }
0xaa: {  	v2 =	vld [tilespmem:s29+$0xC410]  }
0xab: {  	v3 =	vld [tilespmem:s29+$0xC420]  }
0xac: {  	v4 =	vld [tilespmem:s29+$0xC430]  }
0xad: {  	[tilespmem:s29+$0x4470] =	vst.add.f32.msk $0xffff, v0  }
0xae: {  	v0 =	vld [tilespmem:s29+$0xC440]  }
0xaf: {  	v5 =	vld [tilespmem:s29+$0xC450]  }
0xb0: {  	v6 =	vld [tilespmem:s29+$0xC460]  }
0xb1: {  	[tilespmem:s29+$0x4400] =	vst.add.f32.msk $0xffff, v1  }
0xb2: {  	[tilespmem:s29+$0x4410] =	vst.add.f32.msk $0xffff, v2  }
.Ltmp3:
0xb3: {  	[tilespmem:s29+$0x4420] =	vst.add.f32.msk $0xffff, v3;
	(pc) =	sbr.rel @p0 .LBB2_8-.Ltmp3, $4  }
0xb4: {  	[tilespmem:s29+$0x4430] =	vst.add.f32.msk $0xffff, v4  }
0xb5: {  	[tilespmem:s29+$0x4440] =	vst.add.f32.msk $0xffff, v0  }
0xb6: {  	[tilespmem:s29+$0x4450] =	vst.add.f32.msk $0xffff, v5  }
0xb7: {  	[tilespmem:s29+$0x4460] =	vst.add.f32.msk $0xffff, v6;
	s29 =	sshra.s32 s30, $0x2;
	s30 =	sadd.s32 $0x200, s30  }
0xb8: {  	v0 =	vld [tilespmem:s29+$0xC470]  }
0xb9: {  	v1 =	vld [tilespmem:s29+$0xC400]  }
0xba: {  	v2 =	vld [tilespmem:s29+$0xC410]  }
0xbb: {  	v3 =	vld [tilespmem:s29+$0xC420]  }
0xbc: {  	v4 =	vld [tilespmem:s29+$0xC430]  }
0xbd: {  	v63 =	vld [tilespmem:s29+$0xC440]  }
0xbe: {  	v5 =	vld [tilespmem:s29+$0xC450]  }
0xbf: {  	v6 =	vld [tilespmem:s29+$0xC460]  }
0xc0: {  	[tilespmem:s29+$0x4470] =	vst.add.f32.msk $0xffff, v0  }
0xc1: {  	[tilespmem:s29+$0x4400] =	vst.add.f32.msk $0xffff, v1  }
0xc2: {  	[tilespmem:s29+$0x4410] =	vst.add.f32.msk $0xffff, v2  }
0xc3: {  	[tilespmem:s29+$0x4420] =	vst.add.f32.msk $0xffff, v3  }
0xc4: {  	[tilespmem:s29+$0x4430] =	vst.add.f32.msk $0xffff, v4  }
0xc5: {  	[tilespmem:s29+$0x4440] =	vst.add.f32.msk $0xffff, v63  }
0xc6: {  	[tilespmem:s29+$0x4450] =	vst.add.f32.msk $0xffff, v5  }
0xc7: {  	s28 =	sadd.s32 $0x1, s28;
	[tilespmem:s29+$0x4460] =	vst.add.f32.msk $0xffff, v6  }
0xc8: {  	[hbm4b:s9+s3] =	stream.linear.scatter [tilespmem:s16], [sflag:$0x4], $0x4000, $0x38;
	[tilespmem:$0x10400] =	vst v63  }
0xc9: {  	p0 =	sne.s32 s28, s10;
	_ =	swait.ge [sflag:s20], $0x4000  }
.Ltmp4:
0xca: {  	[sflag:s20] =	ssyncset.done $0x0;
	(pc) =	sbr.rel @p0 .LBB2_1-.Ltmp4, $4  }
0xcb: {  	[sflag:s20] =	ssyncadd.s32 $0xFFFFC000  }
0xcc: {  	_ =	swait.ge [sflag:s24], $0x4000  }
0xcd: {  	[sflag:s24] =	ssyncset.done $0x0  }
0xce: {  	[sflag:s24] =	ssyncadd.s32 $0xFFFFC000  }
0xcf: {  	_ =	sfence.sel $0x180000  }
0xd0: {  	[bflag:$0x0] =	sbarrier.arrive $0xFFFF  }
0xd1: {  	p0 =	sne.s32 s2, $0x0;
	_ =	strace $0x90000047  }
0xd2: {  	s0 =	sadd.s32 @!p0 $0x100000, s0;
	[bflag:$0x2] =	sbarrier.arrive $0xFFFF  }
0xd3: {  	[sflag:s0] =	ssyncadd.tile.s32 @!p0 $0x1;
	_ =	shalt  }
.Lfunc_end2:
_tile_overlayer_lowered:
.L_overlay_start_2:
0xd4: {  	(tag) =	ssettag $0x2  }
0xd5: {  	s0 =	rddreg [dreg:$0x0];
	s2 =	stileid.u32  }
0xd6: {  	s1 =	rddreg [dreg:$0x1];
	p0 =	sne.s32 s2, $0x0  }
0xd7: {  	s3 =	rddreg [dreg:$0x2];
	[bflag:$0x3] =	sbarrier.arrive $0xFFFF;
	s2 =	simm.s32 @!p0 $0x1C05  }
0xd8: {  	[timem:s3], [sflag:s2] =	dma.local @!p0 [hbm:s0], s1  }
0xd9: {  	s0 =	simm.s32 @!p0 $0x5  }
0xda: {  	_ =	swait.ge @!p0 [sflag:s0], s1  }
0xdb: {  	s1 =	ssub.s32 @!p0 $0x0, s1;
	[sflag:s0] =	ssyncset.done @!p0 $0x0  }
0xdc: {  	[sflag:s0] =	ssyncadd.s32 @!p0 s1  }
0xdd: {  	[bflag:$0x3] =	sbarrier.arrive $0xFFFF  }
0xde: {  	_ =	shalt  }

</sc_bundles>
